<compile_context>
chip_gen: v7x
topology: tpu7x:2x2x1
jax: 0.10.2.dev20260603
libtpu: 0.0.44.dev20260713+nightly
codegen_flags: <defaults>
</compile_context>

<pallas_src>
import functools
import math

import jax
import jax.numpy as jnp
from jax import lax
from jax.experimental import pallas as pl
from jax.experimental.pallas import tpu as pltpu
from jax.experimental.pallas import tpu_sc as plsc

D = 64
B = 16384
SCALE = 1.0 / math.sqrt(4.0)

NC = 2
NS = 16
NW = NC * NS
BPW = B // NW
CH = 128
NCHUNK = BPW // CH


def _adj_body(dt_ref, w_ref, o_ref):
    acc = lax.dot_general(dt_ref[...], w_ref[...], (((0,), (0,)), ((), ())),
                          preferred_element_type=jnp.float32)
    o_ref[...] = acc * SCALE


def _adjustment(dense_t, W_dense):
    return pl.pallas_call(
        _adj_body,
        out_shape=jax.ShapeDtypeStruct((B, D), jnp.float32),
    )(dense_t, W_dense)


def _sc_body(uid_hbm, iid_hbm, cid_hbm, adj_hbm, eu_hbm, ei_hbm, ec_hbm,
             out_hbm, idxu_v, idxi_v, idxc_v, ru_v, ri_v, rc_v,
             adj_v, sem, adj_sem, idx_sem):
    wid = lax.axis_index("s") * NC + lax.axis_index("c")
    base = wid * BPW

    ciu = pltpu.async_copy(uid_hbm.at[pl.ds(base, BPW)], idxu_v, idx_sem)
    cii = pltpu.async_copy(iid_hbm.at[pl.ds(base, BPW)], idxi_v, idx_sem)
    cic = pltpu.async_copy(cid_hbm.at[pl.ds(base, BPW)], idxc_v, idx_sem)
    ciu.wait()
    cii.wait()
    cic.wait()

    def chunk(ci, carry):
        off = base + ci * CH
        loc = ci * CH
        ca = pltpu.async_copy(adj_hbm.at[pl.ds(off, CH)], adj_v, adj_sem)

        def issue(g, rcarry):
            vu = idxu_v[pl.ds(loc + g * 16, 16)]
            vi = idxi_v[pl.ds(loc + g * 16, 16)]
            vc = idxc_v[pl.ds(loc + g * 16, 16)]
            for l in range(16):
                r = g * 16 + l
                pltpu.async_copy(eu_hbm.at[pl.ds(vu[l], 1)],
                                 ru_v.at[pl.ds(r, 1)], sem)
                pltpu.async_copy(ei_hbm.at[pl.ds(vi[l], 1)],
                                 ri_v.at[pl.ds(r, 1)], sem)
                pltpu.async_copy(ec_hbm.at[pl.ds(vc[l], 1)],
                                 rc_v.at[pl.ds(r, 1)], sem)
            return rcarry

        lax.fori_loop(0, CH // 16, issue, 0)
        pltpu.make_async_copy(eu_hbm.at[pl.ds(0, CH)], ru_v, sem).wait()
        pltpu.make_async_copy(ei_hbm.at[pl.ds(0, CH)], ri_v, sem).wait()
        pltpu.make_async_copy(ec_hbm.at[pl.ds(0, CH)], rc_v, sem).wait()
        ca.wait()

        def row(r, rcarry):
            for c4 in range(D // 16):
                s = pl.ds(c4 * 16, 16)
                adj_v[r, s] = (ru_v[r, s] + ri_v[r, s] + rc_v[r, s]) * SCALE \
                    + adj_v[r, s]
            return rcarry

        lax.fori_loop(0, CH, row, 0)
        pltpu.sync_copy(adj_v, out_hbm.at[pl.ds(off, CH)])
        return carry

    lax.fori_loop(0, NCHUNK, chunk, 0)


_sc_call = functools.partial(
    pl.kernel,
    out_type=jax.ShapeDtypeStruct((B, D), jnp.float32),
    mesh=plsc.VectorSubcoreMesh(core_axis_name="c", subcore_axis_name="s"),
    scratch_types=[
        pltpu.VMEM((BPW,), jnp.int32),
        pltpu.VMEM((BPW,), jnp.int32),
        pltpu.VMEM((BPW,), jnp.int32),
        pltpu.VMEM((CH, D), jnp.float32),
        pltpu.VMEM((CH, D), jnp.float32),
        pltpu.VMEM((CH, D), jnp.float32),
        pltpu.VMEM((CH, D), jnp.float32),
        pltpu.SemaphoreType.DMA,
        pltpu.SemaphoreType.DMA,
        pltpu.SemaphoreType.DMA,
    ],
)(_sc_body)


def kernel(user_id, item_id, category, dense_0, E_user, E_item, E_cat,
           W_dense):
    u = user_id.astype(jnp.int32)
    i = item_id.astype(jnp.int32)
    c = category.astype(jnp.int32)
    Eu = E_user.at[0].set(0.0)
    Ei = E_item.at[0].set(0.0)
    Ec = E_cat.at[0].set(0.0)
    adj = _adjustment(dense_0.T, W_dense)
    return _sc_call(u, i, c, adj, Eu, Ei, Ec)

# --- scband reference (transcript-rebuilt; emitter-appended) ---
"""Pipeline reference for scband-feature-encoder-17300128268629 (READ-ONLY COPY).

The authoritative reference and input builder live on the scoring server;
editing this copy changes nothing except your own understanding.
"""

import jax, jax.numpy as jnp
import numpy as np
import math

D_MODEL = 64
BATCH = 16384
VOCABS = {"user_id": 1000000, "item_id": 100000, "category": 1000}
DENSE_DIM = 16
N_FEATURES = 4
SCALE = 1.0 / math.sqrt(N_FEATURES)


def setup_inputs(seed: int = 0) -> dict:
    key = jax.random.key(seed)
    ks = jax.random.split(key, 8)
    user_id = jax.random.randint(ks[0], (BATCH,), 0, VOCABS["user_id"])
    item_id = jax.random.randint(ks[1], (BATCH,), 0, VOCABS["item_id"])
    category = jax.random.randint(ks[2], (BATCH,), 0, VOCABS["category"])
    dense_0 = jax.random.normal(ks[3], (BATCH, DENSE_DIM), dtype=jnp.float32)
    # learned parameters (Embedding tables have vocab_size + 1 rows; row 0 is padding)
    E_user = jax.random.normal(ks[4], (VOCABS["user_id"] + 1, D_MODEL), dtype=jnp.float32)
    E_item = jax.random.normal(ks[5], (VOCABS["item_id"] + 1, D_MODEL), dtype=jnp.float32)
    E_cat = jax.random.normal(ks[6], (VOCABS["category"] + 1, D_MODEL), dtype=jnp.float32)
    # nn.Linear(16, 64, bias=False): store as (in, out) so out = x @ W
    W_dense = jax.random.normal(ks[7], (DENSE_DIM, D_MODEL), dtype=jnp.float32) * (1.0 / math.sqrt(DENSE_DIM))
    return {
        "user_id": user_id,
        "item_id": item_id,
        "category": category,
        "dense_0": dense_0,
        "E_user": E_user,
        "E_item": E_item,
        "E_cat": E_cat,
        "W_dense": W_dense,
    }


def reference(user_id, item_id, category, dense_0, E_user, E_item, E_cat, W_dense):
    # padding_idx=0 -> row 0 of each table is zero
    Eu = E_user.at[0].set(0.0)
    Ei = E_item.at[0].set(0.0)
    Ec = E_cat.at[0].set(0.0)
    p_user = jnp.take(Eu, user_id, axis=0)
    p_item = jnp.take(Ei, item_id, axis=0)
    p_cat = jnp.take(Ec, category, axis=0)
    p_dense = dense_0 @ W_dense
    out = jnp.stack([p_user, p_item, p_cat, p_dense], axis=0).sum(axis=0)
    return out * SCALE

if __name__ == "__main__":
    import jax
    _d = setup_inputs()
    print(jax.jit(kernel)(*tuple(_d.values())))

</pallas_src>

<mosaic_0001>
#map = affine_map<(d0, d1) -> (0)>
#map1 = affine_map<(d0, d1) -> (0, 0)>
module attributes {stable_mosaic.version = 14 : i64} {
  func.func @_sc_body(%arg0: i32, %arg1: i32, %arg2: memref<16384xi32, #tpu.memory_space<hbm>>, %arg3: memref<16384xi32, #tpu.memory_space<hbm>>, %arg4: memref<16384xi32, #tpu.memory_space<hbm>>, %arg5: memref<16384x64xf32, #tpu.memory_space<hbm>>, %arg6: memref<1000001x64xf32, #tpu.memory_space<hbm>>, %arg7: memref<100001x64xf32, #tpu.memory_space<hbm>>, %arg8: memref<1001x64xf32, #tpu.memory_space<hbm>>, %arg9: memref<16384x64xf32, #tpu.memory_space<hbm>>, %arg10: memref<512xi32, #tpu.memory_space<vmem>>, %arg11: memref<512xi32, #tpu.memory_space<vmem>>, %arg12: memref<512xi32, #tpu.memory_space<vmem>>, %arg13: memref<128x64xf32, #tpu.memory_space<vmem>>, %arg14: memref<128x64xf32, #tpu.memory_space<vmem>>, %arg15: memref<128x64xf32, #tpu.memory_space<vmem>>, %arg16: memref<128x64xf32, #tpu.memory_space<vmem>>, %arg17: memref<!tpu.dma_semaphore, #tpu.memory_space<semaphore_mem>>, %arg18: memref<!tpu.dma_semaphore, #tpu.memory_space<semaphore_mem>>, %arg19: memref<!tpu.dma_semaphore, #tpu.memory_space<semaphore_mem>>) attributes {dimension_semantics = [#tpu.dimension_semantics<core_parallel>, #tpu.dimension_semantics<subcore_parallel>], iteration_bounds = array<i64: 2, 16>, scalar_prefetch = 0 : i64, scratch_operands = 10 : i64, tpu.core_type = #tpu.core_type<sc_vector_subcore>, window_params = [{transform_indices = #map}, {transform_indices = #map}, {transform_indices = #map}, {transform_indices = #map1}, {transform_indices = #map1}, {transform_indices = #map1}, {transform_indices = #map1}, {transform_indices = #map1}]} {
    %mul3A = arith.constant 2 : i32
    %mul3A_0 = arith.muli %arg1, %mul3A : i32
    %add3A = arith.addi %mul3A_0, %arg0 : i32
    %mul3A_1 = arith.constant 512 : i32
    %mul3A_2 = arith.muli %add3A, %mul3A_1 : i32
    %dma_start3A = tpu.memref_slice %arg2[%mul3A_2] : memref<16384xi32, #tpu.memory_space<hbm>> -> memref<512xi32, #tpu.memory_space<hbm>>
    %dma_start3A_3 = tpu.memref_slice %arg2[%mul3A_2] : memref<16384xi32, #tpu.memory_space<hbm>> -> memref<512xi32, #tpu.memory_space<hbm>>
    tpu.enqueue_dma source(%dma_start3A_3 : memref<512xi32, #tpu.memory_space<hbm>>) target(%arg10 : memref<512xi32, #tpu.memory_space<vmem>>) target_semaphore(%arg19 : memref<!tpu.dma_semaphore, #tpu.memory_space<semaphore_mem>>)
    %dma_start3A_4 = tpu.memref_slice %arg3[%mul3A_2] : memref<16384xi32, #tpu.memory_space<hbm>> -> memref<512xi32, #tpu.memory_space<hbm>>
    %dma_start3A_5 = tpu.memref_slice %arg3[%mul3A_2] : memref<16384xi32, #tpu.memory_space<hbm>> -> memref<512xi32, #tpu.memory_space<hbm>>
    tpu.enqueue_dma source(%dma_start3A_5 : memref<512xi32, #tpu.memory_space<hbm>>) target(%arg11 : memref<512xi32, #tpu.memory_space<vmem>>) target_semaphore(%arg19 : memref<!tpu.dma_semaphore, #tpu.memory_space<semaphore_mem>>)
    %dma_start3A_6 = tpu.memref_slice %arg4[%mul3A_2] : memref<16384xi32, #tpu.memory_space<hbm>> -> memref<512xi32, #tpu.memory_space<hbm>>
    %dma_start3A_7 = tpu.memref_slice %arg4[%mul3A_2] : memref<16384xi32, #tpu.memory_space<hbm>> -> memref<512xi32, #tpu.memory_space<hbm>>
    tpu.enqueue_dma source(%dma_start3A_7 : memref<512xi32, #tpu.memory_space<hbm>>) target(%arg12 : memref<512xi32, #tpu.memory_space<vmem>>) target_semaphore(%arg19 : memref<!tpu.dma_semaphore, #tpu.memory_space<semaphore_mem>>)
    %dma_wait3A = tpu.memref_slice %arg2[%mul3A_2] : memref<16384xi32, #tpu.memory_space<hbm>> -> memref<512xi32, #tpu.memory_space<hbm>>
    %dma_wait3A_8 = tpu.memref_slice %arg2[%mul3A_2] : memref<16384xi32, #tpu.memory_space<hbm>> -> memref<512xi32, #tpu.memory_space<hbm>>
    tpu.wait_dma2 semaphore(%arg19 : memref<!tpu.dma_semaphore, #tpu.memory_space<semaphore_mem>>) src(%dma_wait3A_8 : memref<512xi32, #tpu.memory_space<hbm>>) dst(%arg10 : memref<512xi32, #tpu.memory_space<vmem>>)
    %dma_wait3A_9 = tpu.memref_slice %arg3[%mul3A_2] : memref<16384xi32, #tpu.memory_space<hbm>> -> memref<512xi32, #tpu.memory_space<hbm>>
    %dma_wait3A_10 = tpu.memref_slice %arg3[%mul3A_2] : memref<16384xi32, #tpu.memory_space<hbm>> -> memref<512xi32, #tpu.memory_space<hbm>>
    tpu.wait_dma2 semaphore(%arg19 : memref<!tpu.dma_semaphore, #tpu.memory_space<semaphore_mem>>) src(%dma_wait3A_10 : memref<512xi32, #tpu.memory_space<hbm>>) dst(%arg11 : memref<512xi32, #tpu.memory_space<vmem>>)
    %dma_wait3A_11 = tpu.memref_slice %arg4[%mul3A_2] : memref<16384xi32, #tpu.memory_space<hbm>> -> memref<512xi32, #tpu.memory_space<hbm>>
    %dma_wait3A_12 = tpu.memref_slice %arg4[%mul3A_2] : memref<16384xi32, #tpu.memory_space<hbm>> -> memref<512xi32, #tpu.memory_space<hbm>>
    tpu.wait_dma2 semaphore(%arg19 : memref<!tpu.dma_semaphore, #tpu.memory_space<semaphore_mem>>) src(%dma_wait3A_12 : memref<512xi32, #tpu.memory_space<hbm>>) dst(%arg12 : memref<512xi32, #tpu.memory_space<vmem>>)
    %scan3A = arith.constant 0 : i32
    %scan3A_13 = arith.constant 0 : i32
    %scan3A_14 = arith.constant 4 : i32
    %scan3A_15 = arith.addi %scan3A_13, %scan3A_14 : i32
    %scan3A_16 = arith.constant 1 : i32
    scf.for %scan3A_18 = %scan3A_13 to %scan3A_15 step %scan3A_16  : i32 {
      %mul3A_19 = arith.constant 128 : i32
      %mul3A_20 = arith.muli %scan3A_18, %mul3A_19 : i32
      %add3A_21 = arith.addi %mul3A_2, %mul3A_20 : i32
      %mul3A_22 = arith.constant 128 : i32
      %mul3A_23 = arith.muli %scan3A_18, %mul3A_22 : i32
      %dma_start3A_24 = arith.constant 0 : i32
      %dma_start3A_25 = tpu.memref_slice %arg5[%add3A_21, %dma_start3A_24] : memref<16384x64xf32, #tpu.memory_space<hbm>> -> memref<128x64xf32, #tpu.memory_space<hbm>>
      %dma_start3A_26 = arith.constant 0 : i32
      %dma_start3A_27 = tpu.memref_slice %arg5[%add3A_21, %dma_start3A_26] : memref<16384x64xf32, #tpu.memory_space<hbm>> -> memref<128x64xf32, #tpu.memory_space<hbm>>
      tpu.enqueue_dma source(%dma_start3A_27 : memref<128x64xf32, #tpu.memory_space<hbm>>) target(%arg16 : memref<128x64xf32, #tpu.memory_space<vmem>>) target_semaphore(%arg18 : memref<!tpu.dma_semaphore, #tpu.memory_space<semaphore_mem>>)
      %scan3A_28 = arith.constant 0 : i32
      %scan3A_29 = arith.constant 0 : i32
      %scan3A_30 = arith.constant 8 : i32
      %scan3A_31 = arith.addi %scan3A_29, %scan3A_30 : i32
      %scan3A_32 = arith.constant 1 : i32
      scf.for %scan3A_62 = %scan3A_29 to %scan3A_31 step %scan3A_32  : i32 {
        %mul3A_63 = arith.constant 16 : i32
        %mul3A_64 = arith.muli %scan3A_62, %mul3A_63 : i32
        %add3A_65 = arith.addi %mul3A_23, %mul3A_64 : i32
        %get3A = arith.index_cast %add3A_65 : i32 to index
        %get3A_66 = tpu.vector_load %arg10[%get3A] {strides = array<i32>} : memref<512xi32, #tpu.memory_space<vmem>>, vector<16xi32>,
        %get3A_67 = vector.shape_cast %get3A_66 : vector<16xi32> to vector<16xi32>
        %mul3A_68 = arith.constant 16 : i32
        %mul3A_69 = arith.muli %scan3A_62, %mul3A_68 : i32
        %add3A_70 = arith.addi %mul3A_23, %mul3A_69 : i32
        %get3A_71 = arith.index_cast %add3A_70 : i32 to index
        %get3A_72 = tpu.vector_load %arg11[%get3A_71] {strides = array<i32>} : memref<512xi32, #tpu.memory_space<vmem>>, vector<16xi32>,
        %get3A_73 = vector.shape_cast %get3A_72 : vector<16xi32> to vector<16xi32>
        %mul3A_74 = arith.constant 16 : i32
        %mul3A_75 = arith.muli %scan3A_62, %mul3A_74 : i32
        %add3A_76 = arith.addi %mul3A_23, %mul3A_75 : i32
        %get3A_77 = arith.index_cast %add3A_76 : i32 to index
        %get3A_78 = tpu.vector_load %arg12[%get3A_77] {strides = array<i32>} : memref<512xi32, #tpu.memory_space<vmem>>, vector<16xi32>,
        %get3A_79 = vector.shape_cast %get3A_78 : vector<16xi32> to vector<16xi32>
        %mul3A_80 = arith.constant 16 : i32
        %mul3A_81 = arith.muli %scan3A_62, %mul3A_80 : i32
        %add3A_82 = arith.constant 0 : i32
        %add3A_83 = arith.addi %mul3A_81, %add3A_82 : i32
        %slice3A = vector.extract_strided_slice %get3A_67 {offsets = [0], sizes = [1], strides = [1]} : vector<16xi32> to vector<1xi32>
        %squeeze3A = vector.extract %slice3A[0] : i32 from vector<1xi32>
        %dma_start3A_84 = arith.constant 0 : i32
        %dma_start3A_85 = tpu.memref_slice %arg13[%add3A_83, %dma_start3A_84] : memref<128x64xf32, #tpu.memory_space<vmem>> -> memref<1x64xf32, #tpu.memory_space<vmem>>
        %dma_start3A_86 = arith.constant 0 : i32
        %dma_start3A_87 = tpu.memref_slice %arg6[%squeeze3A, %dma_start3A_86] : memref<1000001x64xf32, #tpu.memory_space<hbm>> -> memref<1x64xf32, #tpu.memory_space<hbm>>
        %dma_start3A_88 = arith.constant 0 : i32
        %dma_start3A_89 = tpu.memref_slice %arg13[%add3A_83, %dma_start3A_88] : memref<128x64xf32, #tpu.memory_space<vmem>> -> memref<1x64xf32, #tpu.memory_space<vmem>>
        %dma_start3A_90 = arith.constant 0 : i32
        %dma_start3A_91 = tpu.memref_slice %arg6[%squeeze3A, %dma_start3A_90] : memref<1000001x64xf32, #tpu.memory_space<hbm>> -> memref<1x64xf32, #tpu.memory_space<hbm>>
        tpu.enqueue_dma source(%dma_start3A_91 : memref<1x64xf32, #tpu.memory_space<hbm>>) target(%dma_start3A_89 : memref<1x64xf32, #tpu.memory_space<vmem>>) target_semaphore(%arg17 : memref<!tpu.dma_semaphore, #tpu.memory_space<semaphore_mem>>)
        %slice3A_92 = vector.extract_strided_slice %get3A_73 {offsets = [0], sizes = [1], strides = [1]} : vector<16xi32> to vector<1xi32>
        %squeeze3A_93 = vector.extract %slice3A_92[0] : i32 from vector<1xi32>
        %dma_start3A_94 = arith.constant 0 : i32
        %dma_start3A_95 = tpu.memref_slice %arg14[%add3A_83, %dma_start3A_94] : memref<128x64xf32, #tpu.memory_space<vmem>> -> memref<1x64xf32, #tpu.memory_space<vmem>>
        %dma_start3A_96 = arith.constant 0 : i32
        %dma_start3A_97 = tpu.memref_slice %arg7[%squeeze3A_93, %dma_start3A_96] : memref<100001x64xf32, #tpu.memory_space<hbm>> -> memref<1x64xf32, #tpu.memory_space<hbm>>
        %dma_start3A_98 = arith.constant 0 : i32
        %dma_start3A_99 = tpu.memref_slice %arg14[%add3A_83, %dma_start3A_98] : memref<128x64xf32, #tpu.memory_space<vmem>> -> memref<1x64xf32, #tpu.memory_space<vmem>>
        %dma_start3A_100 = arith.constant 0 : i32
        %dma_start3A_101 = tpu.memref_slice %arg7[%squeeze3A_93, %dma_start3A_100] : memref<100001x64xf32, #tpu.memory_space<hbm>> -> memref<1x64xf32, #tpu.memory_space<hbm>>
        tpu.enqueue_dma source(%dma_start3A_101 : memref<1x64xf32, #tpu.memory_space<hbm>>) target(%dma_start3A_99 : memref<1x64xf32, #tpu.memory_space<vmem>>) target_semaphore(%arg17 : memref<!tpu.dma_semaphore, #tpu.memory_space<semaphore_mem>>)
        %slice3A_102 = vector.extract_strided_slice %get3A_79 {offsets = [0], sizes = [1], strides = [1]} : vector<16xi32> to vector<1xi32>
        %squeeze3A_103 = vector.extract %slice3A_102[0] : i32 from vector<1xi32>
        %dma_start3A_104 = arith.constant 0 : i32
        %dma_start3A_105 = tpu.memref_slice %arg15[%add3A_83, %dma_start3A_104] : memref<128x64xf32, #tpu.memory_space<vmem>> -> memref<1x64xf32, #tpu.memory_space<vmem>>
        %dma_start3A_106 = arith.constant 0 : i32
        %dma_start3A_107 = tpu.memref_slice %arg8[%squeeze3A_103, %dma_start3A_106] : memref<1001x64xf32, #tpu.memory_space<hbm>> -> memref<1x64xf32, #tpu.memory_space<hbm>>
        %dma_start3A_108 = arith.constant 0 : i32
        %dma_start3A_109 = tpu.memref_slice %arg15[%add3A_83, %dma_start3A_108] : memref<128x64xf32, #tpu.memory_space<vmem>> -> memref<1x64xf32, #tpu.memory_space<vmem>>
        %dma_start3A_110 = arith.constant 0 : i32
        %dma_start3A_111 = tpu.memref_slice %arg8[%squeeze3A_103, %dma_start3A_110] : memref<1001x64xf32, #tpu.memory_space<hbm>> -> memref<1x64xf32, #tpu.memory_space<hbm>>
        tpu.enqueue_dma source(%dma_start3A_111 : memref<1x64xf32, #tpu.memory_space<hbm>>) target(%dma_start3A_109 : memref<1x64xf32, #tpu.memory_space<vmem>>) target_semaphore(%arg17 : memref<!tpu.dma_semaphore, #tpu.memory_space<semaphore_mem>>)
        %mul3A_112 = arith.constant 16 : i32
        %mul3A_113 = arith.muli %scan3A_62, %mul3A_112 : i32
        %add3A_114 = arith.constant 1 : i32
        %add3A_115 = arith.addi %mul3A_113, %add3A_114 : i32
        %slice3A_116 = vector.extract_strided_slice %get3A_67 {offsets = [1], sizes = [1], strides = [1]} : vector<16xi32> to vector<1xi32>
        %squeeze3A_117 = vector.extract %slice3A_116[0] : i32 from vector<1xi32>
        %dma_start3A_118 = arith.constant 0 : i32
        %dma_start3A_119 = tpu.memref_slice %arg13[%add3A_115, %dma_start3A_118] : memref<128x64xf32, #tpu.memory_space<vmem>> -> memref<1x64xf32, #tpu.memory_space<vmem>>
        %dma_start3A_120 = arith.constant 0 : i32
        %dma_start3A_121 = tpu.memref_slice %arg6[%squeeze3A_117, %dma_start3A_120] : memref<1000001x64xf32, #tpu.memory_space<hbm>> -> memref<1x64xf32, #tpu.memory_space<hbm>>
        %dma_start3A_122 = arith.constant 0 : i32
        %dma_start3A_123 = tpu.memref_slice %arg13[%add3A_115, %dma_start3A_122] : memref<128x64xf32, #tpu.memory_space<vmem>> -> memref<1x64xf32, #tpu.memory_space<vmem>>
        %dma_start3A_124 = arith.constant 0 : i32
        %dma_start3A_125 = tpu.memref_slice %arg6[%squeeze3A_117, %dma_start3A_124] : memref<1000001x64xf32, #tpu.memory_space<hbm>> -> memref<1x64xf32, #tpu.memory_space<hbm>>
        tpu.enqueue_dma source(%dma_start3A_125 : memref<1x64xf32, #tpu.memory_space<hbm>>) target(%dma_start3A_123 : memref<1x64xf32, #tpu.memory_space<vmem>>) target_semaphore(%arg17 : memref<!tpu.dma_semaphore, #tpu.memory_space<semaphore_mem>>)
        %slice3A_126 = vector.extract_strided_slice %get3A_73 {offsets = [1], sizes = [1], strides = [1]} : vector<16xi32> to vector<1xi32>
        %squeeze3A_127 = vector.extract %slice3A_126[0] : i32 from vector<1xi32>
        %dma_start3A_128 = arith.constant 0 : i32
        %dma_start3A_129 = tpu.memref_slice %arg14[%add3A_115, %dma_start3A_128] : memref<128x64xf32, #tpu.memory_space<vmem>> -> memref<1x64xf32, #tpu.memory_space<vmem>>
        %dma_start3A_130 = arith.constant 0 : i32
        %dma_start3A_131 = tpu.memref_slice %arg7[%squeeze3A_127, %dma_start3A_130] : memref<100001x64xf32, #tpu.memory_space<hbm>> -> memref<1x64xf32, #tpu.memory_space<hbm>>
        %dma_start3A_132 = arith.constant 0 : i32
        %dma_start3A_133 = tpu.memref_slice %arg14[%add3A_115, %dma_start3A_132] : memref<128x64xf32, #tpu.memory_space<vmem>> -> memref<1x64xf32, #tpu.memory_space<vmem>>
        %dma_start3A_134 = arith.constant 0 : i32
        %dma_start3A_135 = tpu.memref_slice %arg7[%squeeze3A_127, %dma_start3A_134] : memref<100001x64xf32, #tpu.memory_space<hbm>> -> memref<1x64xf32, #tpu.memory_space<hbm>>
        tpu.enqueue_dma source(%dma_start3A_135 : memref<1x64xf32, #tpu.memory_space<hbm>>) target(%dma_start3A_133 : memref<1x64xf32, #tpu.memory_space<vmem>>) target_semaphore(%arg17 : memref<!tpu.dma_semaphore, #tpu.memory_space<semaphore_mem>>)
        %slice3A_136 = vector.extract_strided_slice %get3A_79 {offsets = [1], sizes = [1], strides = [1]} : vector<16xi32> to vector<1xi32>
        %squeeze3A_137 = vector.extract %slice3A_136[0] : i32 from vector<1xi32>
        %dma_start3A_138 = arith.constant 0 : i32
        %dma_start3A_139 = tpu.memref_slice %arg15[%add3A_115, %dma_start3A_138] : memref<128x64xf32, #tpu.memory_space<vmem>> -> memref<1x64xf32, #tpu.memory_space<vmem>>
        %dma_start3A_140 = arith.constant 0 : i32
        %dma_start3A_141 = tpu.memref_slice %arg8[%squeeze3A_137, %dma_start3A_140] : memref<1001x64xf32, #tpu.memory_space<hbm>> -> memref<1x64xf32, #tpu.memory_space<hbm>>
        %dma_start3A_142 = arith.constant 0 : i32
        %dma_start3A_143 = tpu.memref_slice %arg15[%add3A_115, %dma_start3A_142] : memref<128x64xf32, #tpu.memory_space<vmem>> -> memref<1x64xf32, #tpu.memory_space<vmem>>
        %dma_start3A_144 = arith.constant 0 : i32
        %dma_start3A_145 = tpu.memref_slice %arg8[%squeeze3A_137, %dma_start3A_144] : memref<1001x64xf32, #tpu.memory_space<hbm>> -> memref<1x64xf32, #tpu.memory_space<hbm>>
        tpu.enqueue_dma source(%dma_start3A_145 : memref<1x64xf32, #tpu.memory_space<hbm>>) target(%dma_start3A_143 : memref<1x64xf32, #tpu.memory_space<vmem>>) target_semaphore(%arg17 : memref<!tpu.dma_semaphore, #tpu.memory_space<semaphore_mem>>)
        %mul3A_146 = arith.constant 16 : i32
        %mul3A_147 = arith.muli %scan3A_62, %mul3A_146 : i32
        %add3A_148 = arith.constant 2 : i32
        %add3A_149 = arith.addi %mul3A_147, %add3A_148 : i32
        %slice3A_150 = vector.extract_strided_slice %get3A_67 {offsets = [2], sizes = [1], strides = [1]} : vector<16xi32> to vector<1xi32>
        %squeeze3A_151 = vector.extract %slice3A_150[0] : i32 from vector<1xi32>
        %dma_start3A_152 = arith.constant 0 : i32
        %dma_start3A_153 = tpu.memref_slice %arg13[%add3A_149, %dma_start3A_152] : memref<128x64xf32, #tpu.memory_space<vmem>> -> memref<1x64xf32, #tpu.memory_space<vmem>>
        %dma_start3A_154 = arith.constant 0 : i32
        %dma_start3A_155 = tpu.memref_slice %arg6[%squeeze3A_151, %dma_start3A_154] : memref<1000001x64xf32, #tpu.memory_space<hbm>> -> memref<1x64xf32, #tpu.memory_space<hbm>>
        %dma_start3A_156 = arith.constant 0 : i32
        %dma_start3A_157 = tpu.memref_slice %arg13[%add3A_149, %dma_start3A_156] : memref<128x64xf32, #tpu.memory_space<vmem>> -> memref<1x64xf32, #tpu.memory_space<vmem>>
        %dma_start3A_158 = arith.constant 0 : i32
        %dma_start3A_159 = tpu.memref_slice %arg6[%squeeze3A_151, %dma_start3A_158] : memref<1000001x64xf32, #tpu.memory_space<hbm>> -> memref<1x64xf32, #tpu.memory_space<hbm>>
        tpu.enqueue_dma source(%dma_start3A_159 : memref<1x64xf32, #tpu.memory_space<hbm>>) target(%dma_start3A_157 : memref<1x64xf32, #tpu.memory_space<vmem>>) target_semaphore(%arg17 : memref<!tpu.dma_semaphore, #tpu.memory_space<semaphore_mem>>)
        %slice3A_160 = vector.extract_strided_slice %get3A_73 {offsets = [2], sizes = [1], strides = [1]} : vector<16xi32> to vector<1xi32>
        %squeeze3A_161 = vector.extract %slice3A_160[0] : i32 from vector<1xi32>
        %dma_start3A_162 = arith.constant 0 : i32
        %dma_start3A_163 = tpu.memref_slice %arg14[%add3A_149, %dma_start3A_162] : memref<128x64xf32, #tpu.memory_space<vmem>> -> memref<1x64xf32, #tpu.memory_space<vmem>>
        %dma_start3A_164 = arith.constant 0 : i32
        %dma_start3A_165 = tpu.memref_slice %arg7[%squeeze3A_161, %dma_start3A_164] : memref<100001x64xf32, #tpu.memory_space<hbm>> -> memref<1x64xf32, #tpu.memory_space<hbm>>
        %dma_start3A_166 = arith.constant 0 : i32
        %dma_start3A_167 = tpu.memref_slice %arg14[%add3A_149, %dma_start3A_166] : memref<128x64xf32, #tpu.memory_space<vmem>> -> memref<1x64xf32, #tpu.memory_space<vmem>>
        %dma_start3A_168 = arith.constant 0 : i32
        %dma_start3A_169 = tpu.memref_slice %arg7[%squeeze3A_161, %dma_start3A_168] : memref<100001x64xf32, #tpu.memory_space<hbm>> -> memref<1x64xf32, #tpu.memory_space<hbm>>
        tpu.enqueue_dma source(%dma_start3A_169 : memref<1x64xf32, #tpu.memory_space<hbm>>) target(%dma_start3A_167 : memref<1x64xf32, #tpu.memory_space<vmem>>) target_semaphore(%arg17 : memref<!tpu.dma_semaphore, #tpu.memory_space<semaphore_mem>>)
        %slice3A_170 = vector.extract_strided_slice %get3A_79 {offsets = [2], sizes = [1], strides = [1]} : vector<16xi32> to vector<1xi32>
        %squeeze3A_171 = vector.extract %slice3A_170[0] : i32 from vector<1xi32>
        %dma_start3A_172 = arith.constant 0 : i32
        %dma_start3A_173 = tpu.memref_slice %arg15[%add3A_149, %dma_start3A_172] : memref<128x64xf32, #tpu.memory_space<vmem>> -> memref<1x64xf32, #tpu.memory_space<vmem>>
        %dma_start3A_174 = arith.constant 0 : i32
        %dma_start3A_175 = tpu.memref_slice %arg8[%squeeze3A_171, %dma_start3A_174] : memref<1001x64xf32, #tpu.memory_space<hbm>> -> memref<1x64xf32, #tpu.memory_space<hbm>>
        %dma_start3A_176 = arith.constant 0 : i32
        %dma_start3A_177 = tpu.memref_slice %arg15[%add3A_149, %dma_start3A_176] : memref<128x64xf32, #tpu.memory_space<vmem>> -> memref<1x64xf32, #tpu.memory_space<vmem>>
        %dma_start3A_178 = arith.constant 0 : i32
        %dma_start3A_179 = tpu.memref_slice %arg8[%squeeze3A_171, %dma_start3A_178] : memref<1001x64xf32, #tpu.memory_space<hbm>> -> memref<1x64xf32, #tpu.memory_space<hbm>>
        tpu.enqueue_dma source(%dma_start3A_179 : memref<1x64xf32, #tpu.memory_space<hbm>>) target(%dma_start3A_177 : memref<1x64xf32, #tpu.memory_space<vmem>>) target_semaphore(%arg17 : memref<!tpu.dma_semaphore, #tpu.memory_space<semaphore_mem>>)
        %mul3A_180 = arith.constant 16 : i32
        %mul3A_181 = arith.muli %scan3A_62, %mul3A_180 : i32
        %add3A_182 = arith.constant 3 : i32
        %add3A_183 = arith.addi %mul3A_181, %add3A_182 : i32
        %slice3A_184 = vector.extract_strided_slice %get3A_67 {offsets = [3], sizes = [1], strides = [1]} : vector<16xi32> to vector<1xi32>
        %squeeze3A_185 = vector.extract %slice3A_184[0] : i32 from vector<1xi32>
        %dma_start3A_186 = arith.constant 0 : i32
        %dma_start3A_187 = tpu.memref_slice %arg13[%add3A_183, %dma_start3A_186] : memref<128x64xf32, #tpu.memory_space<vmem>> -> memref<1x64xf32, #tpu.memory_space<vmem>>
        %dma_start3A_188 = arith.constant 0 : i32
        %dma_start3A_189 = tpu.memref_slice %arg6[%squeeze3A_185, %dma_start3A_188] : memref<1000001x64xf32, #tpu.memory_space<hbm>> -> memref<1x64xf32, #tpu.memory_space<hbm>>
        %dma_start3A_190 = arith.constant 0 : i32
        %dma_start3A_191 = tpu.memref_slice %arg13[%add3A_183, %dma_start3A_190] : memref<128x64xf32, #tpu.memory_space<vmem>> -> memref<1x64xf32, #tpu.memory_space<vmem>>
        %dma_start3A_192 = arith.constant 0 : i32
        %dma_start3A_193 = tpu.memref_slice %arg6[%squeeze3A_185, %dma_start3A_192] : memref<1000001x64xf32, #tpu.memory_space<hbm>> -> memref<1x64xf32, #tpu.memory_space<hbm>>
        tpu.enqueue_dma source(%dma_start3A_193 : memref<1x64xf32, #tpu.memory_space<hbm>>) target(%dma_start3A_191 : memref<1x64xf32, #tpu.memory_space<vmem>>) target_semaphore(%arg17 : memref<!tpu.dma_semaphore, #tpu.memory_space<semaphore_mem>>)
        %slice3A_194 = vector.extract_strided_slice %get3A_73 {offsets = [3], sizes = [1], strides = [1]} : vector<16xi32> to vector<1xi32>
        %squeeze3A_195 = vector.extract %slice3A_194[0] : i32 from vector<1xi32>
        %dma_start3A_196 = arith.constant 0 : i32
        %dma_start3A_197 = tpu.memref_slice %arg14[%add3A_183, %dma_start3A_196] : memref<128x64xf32, #tpu.memory_space<vmem>> -> memref<1x64xf32, #tpu.memory_space<vmem>>
        %dma_start3A_198 = arith.constant 0 : i32
        %dma_start3A_199 = tpu.memref_slice %arg7[%squeeze3A_195, %dma_start3A_198] : memref<100001x64xf32, #tpu.memory_space<hbm>> -> memref<1x64xf32, #tpu.memory_space<hbm>>
        %dma_start3A_200 = arith.constant 0 : i32
        %dma_start3A_201 = tpu.memref_slice %arg14[%add3A_183, %dma_start3A_200] : memref<128x64xf32, #tpu.memory_space<vmem>> -> memref<1x64xf32, #tpu.memory_space<vmem>>
        %dma_start3A_202 = arith.constant 0 : i32
        %dma_start3A_203 = tpu.memref_slice %arg7[%squeeze3A_195, %dma_start3A_202] : memref<100001x64xf32, #tpu.memory_space<hbm>> -> memref<1x64xf32, #tpu.memory_space<hbm>>
        tpu.enqueue_dma source(%dma_start3A_203 : memref<1x64xf32, #tpu.memory_space<hbm>>) target(%dma_start3A_201 : memref<1x64xf32, #tpu.memory_space<vmem>>) target_semaphore(%arg17 : memref<!tpu.dma_semaphore, #tpu.memory_space<semaphore_mem>>)
        %slice3A_204 = vector.extract_strided_slice %get3A_79 {offsets = [3], sizes = [1], strides = [1]} : vector<16xi32> to vector<1xi32>
        %squeeze3A_205 = vector.extract %slice3A_204[0] : i32 from vector<1xi32>
        %dma_start3A_206 = arith.constant 0 : i32
        %dma_start3A_207 = tpu.memref_slice %arg15[%add3A_183, %dma_start3A_206] : memref<128x64xf32, #tpu.memory_space<vmem>> -> memref<1x64xf32, #tpu.memory_space<vmem>>
        %dma_start3A_208 = arith.constant 0 : i32
        %dma_start3A_209 = tpu.memref_slice %arg8[%squeeze3A_205, %dma_start3A_208] : memref<1001x64xf32, #tpu.memory_space<hbm>> -> memref<1x64xf32, #tpu.memory_space<hbm>>
        %dma_start3A_210 = arith.constant 0 : i32
        %dma_start3A_211 = tpu.memref_slice %arg15[%add3A_183, %dma_start3A_210] : memref<128x64xf32, #tpu.memory_space<vmem>> -> memref<1x64xf32, #tpu.memory_space<vmem>>
        %dma_start3A_212 = arith.constant 0 : i32
        %dma_start3A_213 = tpu.memref_slice %arg8[%squeeze3A_205, %dma_start3A_212] : memref<1001x64xf32, #tpu.memory_space<hbm>> -> memref<1x64xf32, #tpu.memory_space<hbm>>
        tpu.enqueue_dma source(%dma_start3A_213 : memref<1x64xf32, #tpu.memory_space<hbm>>) target(%dma_start3A_211 : memref<1x64xf32, #tpu.memory_space<vmem>>) target_semaphore(%arg17 : memref<!tpu.dma_semaphore, #tpu.memory_space<semaphore_mem>>)
        %mul3A_214 = arith.constant 16 : i32
        %mul3A_215 = arith.muli %scan3A_62, %mul3A_214 : i32
        %add3A_216 = arith.constant 4 : i32
        %add3A_217 = arith.addi %mul3A_215, %add3A_216 : i32
        %slice3A_218 = vector.extract_strided_slice %get3A_67 {offsets = [4], sizes = [1], strides = [1]} : vector<16xi32> to vector<1xi32>
        %squeeze3A_219 = vector.extract %slice3A_218[0] : i32 from vector<1xi32>
        %dma_start3A_220 = arith.constant 0 : i32
        %dma_start3A_221 = tpu.memref_slice %arg13[%add3A_217, %dma_start3A_220] : memref<128x64xf32, #tpu.memory_space<vmem>> -> memref<1x64xf32, #tpu.memory_space<vmem>>
        %dma_start3A_222 = arith.constant 0 : i32
        %dma_start3A_223 = tpu.memref_slice %arg6[%squeeze3A_219, %dma_start3A_222] : memref<1000001x64xf32, #tpu.memory_space<hbm>> -> memref<1x64xf32, #tpu.memory_space<hbm>>
        %dma_start3A_224 = arith.constant 0 : i32
        %dma_start3A_225 = tpu.memref_slice %arg13[%add3A_217, %dma_start3A_224] : memref<128x64xf32, #tpu.memory_space<vmem>> -> memref<1x64xf32, #tpu.memory_space<vmem>>
        %dma_start3A_226 = arith.constant 0 : i32
        %dma_start3A_227 = tpu.memref_slice %arg6[%squeeze3A_219, %dma_start3A_226] : memref<1000001x64xf32, #tpu.memory_space<hbm>> -> memref<1x64xf32, #tpu.memory_space<hbm>>
        tpu.enqueue_dma source(%dma_start3A_227 : memref<1x64xf32, #tpu.memory_space<hbm>>) target(%dma_start3A_225 : memref<1x64xf32, #tpu.memory_space<vmem>>) target_semaphore(%arg17 : memref<!tpu.dma_semaphore, #tpu.memory_space<semaphore_mem>>)
        %slice3A_228 = vector.extract_strided_slice %get3A_73 {offsets = [4], sizes = [1], strides = [1]} : vector<16xi32> to vector<1xi32>
        %squeeze3A_229 = vector.extract %slice3A_228[0] : i32 from vector<1xi32>
        %dma_start3A_230 = arith.constant 0 : i32
        %dma_start3A_231 = tpu.memref_slice %arg14[%add3A_217, %dma_start3A_230] : memref<128x64xf32, #tpu.memory_space<vmem>> -> memref<1x64xf32, #tpu.memory_space<vmem>>
        %dma_start3A_232 = arith.constant 0 : i32
        %dma_start3A_233 = tpu.memref_slice %arg7[%squeeze3A_229, %dma_start3A_232] : memref<100001x64xf32, #tpu.memory_space<hbm>> -> memref<1x64xf32, #tpu.memory_space<hbm>>
        %dma_start3A_234 = arith.constant 0 : i32
        %dma_start3A_235 = tpu.memref_slice %arg14[%add3A_217, %dma_start3A_234] : memref<128x64xf32, #tpu.memory_space<vmem>> -> memref<1x64xf32, #tpu.memory_space<vmem>>
        %dma_start3A_236 = arith.constant 0 : i32
        %dma_start3A_237 = tpu.memref_slice %arg7[%squeeze3A_229, %dma_start3A_236] : memref<100001x64xf32, #tpu.memory_space<hbm>> -> memref<1x64xf32, #tpu.memory_space<hbm>>
        tpu.enqueue_dma source(%dma_start3A_237 : memref<1x64xf32, #tpu.memory_space<hbm>>) target(%dma_start3A_235 : memref<1x64xf32, #tpu.memory_space<vmem>>) target_semaphore(%arg17 : memref<!tpu.dma_semaphore, #tpu.memory_space<semaphore_mem>>)
        %slice3A_238 = vector.extract_strided_slice %get3A_79 {offsets = [4], sizes = [1], strides = [1]} : vector<16xi32> to vector<1xi32>
        %squeeze3A_239 = vector.extract %slice3A_238[0] : i32 from vector<1xi32>
        %dma_start3A_240 = arith.constant 0 : i32
        %dma_start3A_241 = tpu.memref_slice %arg15[%add3A_217, %dma_start3A_240] : memref<128x64xf32, #tpu.memory_space<vmem>> -> memref<1x64xf32, #tpu.memory_space<vmem>>
        %dma_start3A_242 = arith.constant 0 : i32
        %dma_start3A_243 = tpu.memref_slice %arg8[%squeeze3A_239, %dma_start3A_242] : memref<1001x64xf32, #tpu.memory_space<hbm>> -> memref<1x64xf32, #tpu.memory_space<hbm>>
        %dma_start3A_244 = arith.constant 0 : i32
        %dma_start3A_245 = tpu.memref_slice %arg15[%add3A_217, %dma_start3A_244] : memref<128x64xf32, #tpu.memory_space<vmem>> -> memref<1x64xf32, #tpu.memory_space<vmem>>
        %dma_start3A_246 = arith.constant 0 : i32
        %dma_start3A_247 = tpu.memref_slice %arg8[%squeeze3A_239, %dma_start3A_246] : memref<1001x64xf32, #tpu.memory_space<hbm>> -> memref<1x64xf32, #tpu.memory_space<hbm>>
        tpu.enqueue_dma source(%dma_start3A_247 : memref<1x64xf32, #tpu.memory_space<hbm>>) target(%dma_start3A_245 : memref<1x64xf32, #tpu.memory_space<vmem>>) target_semaphore(%arg17 : memref<!tpu.dma_semaphore, #tpu.memory_space<semaphore_mem>>)
        %mul3A_248 = arith.constant 16 : i32
        %mul3A_249 = arith.muli %scan3A_62, %mul3A_248 : i32
        %add3A_250 = arith.constant 5 : i32
        %add3A_251 = arith.addi %mul3A_249, %add3A_250 : i32
        %slice3A_252 = vector.extract_strided_slice %get3A_67 {offsets = [5], sizes = [1], strides = [1]} : vector<16xi32> to vector<1xi32>
        %squeeze3A_253 = vector.extract %slice3A_252[0] : i32 from vector<1xi32>
        %dma_start3A_254 = arith.constant 0 : i32
        %dma_start3A_255 = tpu.memref_slice %arg13[%add3A_251, %dma_start3A_254] : memref<128x64xf32, #tpu.memory_space<vmem>> -> memref<1x64xf32, #tpu.memory_space<vmem>>
        %dma_start3A_256 = arith.constant 0 : i32
        %dma_start3A_257 = tpu.memref_slice %arg6[%squeeze3A_253, %dma_start3A_256] : memref<1000001x64xf32, #tpu.memory_space<hbm>> -> memref<1x64xf32, #tpu.memory_space<hbm>>
        %dma_start3A_258 = arith.constant 0 : i32
        %dma_start3A_259 = tpu.memref_slice %arg13[%add3A_251, %dma_start3A_258] : memref<128x64xf32, #tpu.memory_space<vmem>> -> memref<1x64xf32, #tpu.memory_space<vmem>>
        %dma_start3A_260 = arith.constant 0 : i32
        %dma_start3A_261 = tpu.memref_slice %arg6[%squeeze3A_253, %dma_start3A_260] : memref<1000001x64xf32, #tpu.memory_space<hbm>> -> memref<1x64xf32, #tpu.memory_space<hbm>>
        tpu.enqueue_dma source(%dma_start3A_261 : memref<1x64xf32, #tpu.memory_space<hbm>>) target(%dma_start3A_259 : memref<1x64xf32, #tpu.memory_space<vmem>>) target_semaphore(%arg17 : memref<!tpu.dma_semaphore, #tpu.memory_space<semaphore_mem>>)
        %slice3A_262 = vector.extract_strided_slice %get3A_73 {offsets = [5], sizes = [1], strides = [1]} : vector<16xi32> to vector<1xi32>
        %squeeze3A_263 = vector.extract %slice3A_262[0] : i32 from vector<1xi32>
        %dma_start3A_264 = arith.constant 0 : i32
        %dma_start3A_265 = tpu.memref_slice %arg14[%add3A_251, %dma_start3A_264] : memref<128x64xf32, #tpu.memory_space<vmem>> -> memref<1x64xf32, #tpu.memory_space<vmem>>
        %dma_start3A_266 = arith.constant 0 : i32
        %dma_start3A_267 = tpu.memref_slice %arg7[%squeeze3A_263, %dma_start3A_266] : memref<100001x64xf32, #tpu.memory_space<hbm>> -> memref<1x64xf32, #tpu.memory_space<hbm>>
        %dma_start3A_268 = arith.constant 0 : i32
        %dma_start3A_269 = tpu.memref_slice %arg14[%add3A_251, %dma_start3A_268] : memref<128x64xf32, #tpu.memory_space<vmem>> -> memref<1x64xf32, #tpu.memory_space<vmem>>
        %dma_start3A_270 = arith.constant 0 : i32
        %dma_start3A_271 = tpu.memref_slice %arg7[%squeeze3A_263, %dma_start3A_270] : memref<100001x64xf32, #tpu.memory_space<hbm>> -> memref<1x64xf32, #tpu.memory_space<hbm>>
        tpu.enqueue_dma source(%dma_start3A_271 : memref<1x64xf32, #tpu.memory_space<hbm>>) target(%dma_start3A_269 : memref<1x64xf32, #tpu.memory_space<vmem>>) target_semaphore(%arg17 : memref<!tpu.dma_semaphore, #tpu.memory_space<semaphore_mem>>)
        %slice3A_272 = vector.extract_strided_slice %get3A_79 {offsets = [5], sizes = [1], strides = [1]} : vector<16xi32> to vector<1xi32>
        %squeeze3A_273 = vector.extract %slice3A_272[0] : i32 from vector<1xi32>
        %dma_start3A_274 = arith.constant 0 : i32
        %dma_start3A_275 = tpu.memref_slice %arg15[%add3A_251, %dma_start3A_274] : memref<128x64xf32, #tpu.memory_space<vmem>> -> memref<1x64xf32, #tpu.memory_space<vmem>>
        %dma_start3A_276 = arith.constant 0 : i32
        %dma_start3A_277 = tpu.memref_slice %arg8[%squeeze3A_273, %dma_start3A_276] : memref<1001x64xf32, #tpu.memory_space<hbm>> -> memref<1x64xf32, #tpu.memory_space<hbm>>
        %dma_start3A_278 = arith.constant 0 : i32
        %dma_start3A_279 = tpu.memref_slice %arg15[%add3A_251, %dma_start3A_278] : memref<128x64xf32, #tpu.memory_space<vmem>> -> memref<1x64xf32, #tpu.memory_space<vmem>>
        %dma_start3A_280 = arith.constant 0 : i32
        %dma_start3A_281 = tpu.memref_slice %arg8[%squeeze3A_273, %dma_start3A_280] : memref<1001x64xf32, #tpu.memory_space<hbm>> -> memref<1x64xf32, #tpu.memory_space<hbm>>
        tpu.enqueue_dma source(%dma_start3A_281 : memref<1x64xf32, #tpu.memory_space<hbm>>) target(%dma_start3A_279 : memref<1x64xf32, #tpu.memory_space<vmem>>) target_semaphore(%arg17 : memref<!tpu.dma_semaphore, #tpu.memory_space<semaphore_mem>>)
        %mul3A_282 = arith.constant 16 : i32
        %mul3A_283 = arith.muli %scan3A_62, %mul3A_282 : i32
        %add3A_284 = arith.constant 6 : i32
        %add3A_285 = arith.addi %mul3A_283, %add3A_284 : i32
        %slice3A_286 = vector.extract_strided_slice %get3A_67 {offsets = [6], sizes = [1], strides = [1]} : vector<16xi32> to vector<1xi32>
        %squeeze3A_287 = vector.extract %slice3A_286[0] : i32 from vector<1xi32>
        %dma_start3A_288 = arith.constant 0 : i32
        %dma_start3A_289 = tpu.memref_slice %arg13[%add3A_285, %dma_start3A_288] : memref<128x64xf32, #tpu.memory_space<vmem>> -> memref<1x64xf32, #tpu.memory_space<vmem>>
        %dma_start3A_290 = arith.constant 0 : i32
        %dma_start3A_291 = tpu.memref_slice %arg6[%squeeze3A_287, %dma_start3A_290] : memref<1000001x64xf32, #tpu.memory_space<hbm>> -> memref<1x64xf32, #tpu.memory_space<hbm>>
        %dma_start3A_292 = arith.constant 0 : i32
        %dma_start3A_293 = tpu.memref_slice %arg13[%add3A_285, %dma_start3A_292] : memref<128x64xf32, #tpu.memory_space<vmem>> -> memref<1x64xf32, #tpu.memory_space<vmem>>
        %dma_start3A_294 = arith.constant 0 : i32
        %dma_start3A_295 = tpu.memref_slice %arg6[%squeeze3A_287, %dma_start3A_294] : memref<1000001x64xf32, #tpu.memory_space<hbm>> -> memref<1x64xf32, #tpu.memory_space<hbm>>
        tpu.enqueue_dma source(%dma_start3A_295 : memref<1x64xf32, #tpu.memory_space<hbm>>) target(%dma_start3A_293 : memref<1x64xf32, #tpu.memory_space<vmem>>) target_semaphore(%arg17 : memref<!tpu.dma_semaphore, #tpu.memory_space<semaphore_mem>>)
        %slice3A_296 = vector.extract_strided_slice %get3A_73 {offsets = [6], sizes = [1], strides = [1]} : vector<16xi32> to vector<1xi32>
        %squeeze3A_297 = vector.extract %slice3A_296[0] : i32 from vector<1xi32>
        %dma_start3A_298 = arith.constant 0 : i32
        %dma_start3A_299 = tpu.memref_slice %arg14[%add3A_285, %dma_start3A_298] : memref<128x64xf32, #tpu.memory_space<vmem>> -> memref<1x64xf32, #tpu.memory_space<vmem>>
        %dma_start3A_300 = arith.constant 0 : i32
        %dma_start3A_301 = tpu.memref_slice %arg7[%squeeze3A_297, %dma_start3A_300] : memref<100001x64xf32, #tpu.memory_space<hbm>> -> memref<1x64xf32, #tpu.memory_space<hbm>>
        %dma_start3A_302 = arith.constant 0 : i32
        %dma_start3A_303 = tpu.memref_slice %arg14[%add3A_285, %dma_start3A_302] : memref<128x64xf32, #tpu.memory_space<vmem>> -> memref<1x64xf32, #tpu.memory_space<vmem>>
        %dma_start3A_304 = arith.constant 0 : i32
        %dma_start3A_305 = tpu.memref_slice %arg7[%squeeze3A_297, %dma_start3A_304] : memref<100001x64xf32, #tpu.memory_space<hbm>> -> memref<1x64xf32, #tpu.memory_space<hbm>>
        tpu.enqueue_dma source(%dma_start3A_305 : memref<1x64xf32, #tpu.memory_space<hbm>>) target(%dma_start3A_303 : memref<1x64xf32, #tpu.memory_space<vmem>>) target_semaphore(%arg17 : memref<!tpu.dma_semaphore, #tpu.memory_space<semaphore_mem>>)
        %slice3A_306 = vector.extract_strided_slice %get3A_79 {offsets = [6], sizes = [1], strides = [1]} : vector<16xi32> to vector<1xi32>
        %squeeze3A_307 = vector.extract %slice3A_306[0] : i32 from vector<1xi32>
        %dma_start3A_308 = arith.constant 0 : i32
        %dma_start3A_309 = tpu.memref_slice %arg15[%add3A_285, %dma_start3A_308] : memref<128x64xf32, #tpu.memory_space<vmem>> -> memref<1x64xf32, #tpu.memory_space<vmem>>
        %dma_start3A_310 = arith.constant 0 : i32
        %dma_start3A_311 = tpu.memref_slice %arg8[%squeeze3A_307, %dma_start3A_310] : memref<1001x64xf32, #tpu.memory_space<hbm>> -> memref<1x64xf32, #tpu.memory_space<hbm>>
        %dma_start3A_312 = arith.constant 0 : i32
        %dma_start3A_313 = tpu.memref_slice %arg15[%add3A_285, %dma_start3A_312] : memref<128x64xf32, #tpu.memory_space<vmem>> -> memref<1x64xf32, #tpu.memory_space<vmem>>
        %dma_start3A_314 = arith.constant 0 : i32
        %dma_start3A_315 = tpu.memref_slice %arg8[%squeeze3A_307, %dma_start3A_314] : memref<1001x64xf32, #tpu.memory_space<hbm>> -> memref<1x64xf32, #tpu.memory_space<hbm>>
        tpu.enqueue_dma source(%dma_start3A_315 : memref<1x64xf32, #tpu.memory_space<hbm>>) target(%dma_start3A_313 : memref<1x64xf32, #tpu.memory_space<vmem>>) target_semaphore(%arg17 : memref<!tpu.dma_semaphore, #tpu.memory_space<semaphore_mem>>)
        %mul3A_316 = arith.constant 16 : i32
        %mul3A_317 = arith.muli %scan3A_62, %mul3A_316 : i32
        %add3A_318 = arith.constant 7 : i32
        %add3A_319 = arith.addi %mul3A_317, %add3A_318 : i32
        %slice3A_320 = vector.extract_strided_slice %get3A_67 {offsets = [7], sizes = [1], strides = [1]} : vector<16xi32> to vector<1xi32>
        %squeeze3A_321 = vector.extract %slice3A_320[0] : i32 from vector<1xi32>
        %dma_start3A_322 = arith.constant 0 : i32
        %dma_start3A_323 = tpu.memref_slice %arg13[%add3A_319, %dma_start3A_322] : memref<128x64xf32, #tpu.memory_space<vmem>> -> memref<1x64xf32, #tpu.memory_space<vmem>>
        %dma_start3A_324 = arith.constant 0 : i32
        %dma_start3A_325 = tpu.memref_slice %arg6[%squeeze3A_321, %dma_start3A_324] : memref<1000001x64xf32, #tpu.memory_space<hbm>> -> memref<1x64xf32, #tpu.memory_space<hbm>>
        %dma_start3A_326 = arith.constant 0 : i32
        %dma_start3A_327 = tpu.memref_slice %arg13[%add3A_319, %dma_start3A_326] : memref<128x64xf32, #tpu.memory_space<vmem>> -> memref<1x64xf32, #tpu.memory_space<vmem>>
        %dma_start3A_328 = arith.constant 0 : i32
        %dma_start3A_329 = tpu.memref_slice %arg6[%squeeze3A_321, %dma_start3A_328] : memref<1000001x64xf32, #tpu.memory_space<hbm>> -> memref<1x64xf32, #tpu.memory_space<hbm>>
        tpu.enqueue_dma source(%dma_start3A_329 : memref<1x64xf32, #tpu.memory_space<hbm>>) target(%dma_start3A_327 : memref<1x64xf32, #tpu.memory_space<vmem>>) target_semaphore(%arg17 : memref<!tpu.dma_semaphore, #tpu.memory_space<semaphore_mem>>)
        %slice3A_330 = vector.extract_strided_slice %get3A_73 {offsets = [7], sizes = [1], strides = [1]} : vector<16xi32> to vector<1xi32>
        %squeeze3A_331 = vector.extract %slice3A_330[0] : i32 from vector<1xi32>
        %dma_start3A_332 = arith.constant 0 : i32
        %dma_start3A_333 = tpu.memref_slice %arg14[%add3A_319, %dma_start3A_332] : memref<128x64xf32, #tpu.memory_space<vmem>> -> memref<1x64xf32, #tpu.memory_space<vmem>>
        %dma_start3A_334 = arith.constant 0 : i32
        %dma_start3A_335 = tpu.memref_slice %arg7[%squeeze3A_331, %dma_start3A_334] : memref<100001x64xf32, #tpu.memory_space<hbm>> -> memref<1x64xf32, #tpu.memory_space<hbm>>
        %dma_start3A_336 = arith.constant 0 : i32
        %dma_start3A_337 = tpu.memref_slice %arg14[%add3A_319, %dma_start3A_336] : memref<128x64xf32, #tpu.memory_space<vmem>> -> memref<1x64xf32, #tpu.memory_space<vmem>>
        %dma_start3A_338 = arith.constant 0 : i32
        %dma_start3A_339 = tpu.memref_slice %arg7[%squeeze3A_331, %dma_start3A_338] : memref<100001x64xf32, #tpu.memory_space<hbm>> -> memref<1x64xf32, #tpu.memory_space<hbm>>
        tpu.enqueue_dma source(%dma_start3A_339 : memref<1x64xf32, #tpu.memory_space<hbm>>) target(%dma_start3A_337 : memref<1x64xf32, #tpu.memory_space<vmem>>) target_semaphore(%arg17 : memref<!tpu.dma_semaphore, #tpu.memory_space<semaphore_mem>>)
        %slice3A_340 = vector.extract_strided_slice %get3A_79 {offsets = [7], sizes = [1], strides = [1]} : vector<16xi32> to vector<1xi32>
        %squeeze3A_341 = vector.extract %slice3A_340[0] : i32 from vector<1xi32>
        %dma_start3A_342 = arith.constant 0 : i32
        %dma_start3A_343 = tpu.memref_slice %arg15[%add3A_319, %dma_start3A_342] : memref<128x64xf32, #tpu.memory_space<vmem>> -> memref<1x64xf32, #tpu.memory_space<vmem>>
        %dma_start3A_344 = arith.constant 0 : i32
        %dma_start3A_345 = tpu.memref_slice %arg8[%squeeze3A_341, %dma_start3A_344] : memref<1001x64xf32, #tpu.memory_space<hbm>> -> memref<1x64xf32, #tpu.memory_space<hbm>>
        %dma_start3A_346 = arith.constant 0 : i32
        %dma_start3A_347 = tpu.memref_slice %arg15[%add3A_319, %dma_start3A_346] : memref<128x64xf32, #tpu.memory_space<vmem>> -> memref<1x64xf32, #tpu.memory_space<vmem>>
        %dma_start3A_348 = arith.constant 0 : i32
        %dma_start3A_349 = tpu.memref_slice %arg8[%squeeze3A_341, %dma_start3A_348] : memref<1001x64xf32, #tpu.memory_space<hbm>> -> memref<1x64xf32, #tpu.memory_space<hbm>>
        tpu.enqueue_dma source(%dma_start3A_349 : memref<1x64xf32, #tpu.memory_space<hbm>>) target(%dma_start3A_347 : memref<1x64xf32, #tpu.memory_space<vmem>>) target_semaphore(%arg17 : memref<!tpu.dma_semaphore, #tpu.memory_space<semaphore_mem>>)
        %mul3A_350 = arith.constant 16 : i32
        %mul3A_351 = arith.muli %scan3A_62, %mul3A_350 : i32
        %add3A_352 = arith.constant 8 : i32
        %add3A_353 = arith.addi %mul3A_351, %add3A_352 : i32
        %slice3A_354 = vector.extract_strided_slice %get3A_67 {offsets = [8], sizes = [1], strides = [1]} : vector<16xi32> to vector<1xi32>
        %squeeze3A_355 = vector.extract %slice3A_354[0] : i32 from vector<1xi32>
        %dma_start3A_356 = arith.constant 0 : i32
        %dma_start3A_357 = tpu.memref_slice %arg13[%add3A_353, %dma_start3A_356] : memref<128x64xf32, #tpu.memory_space<vmem>> -> memref<1x64xf32, #tpu.memory_space<vmem>>
        %dma_start3A_358 = arith.constant 0 : i32
        %dma_start3A_359 = tpu.memref_slice %arg6[%squeeze3A_355, %dma_start3A_358] : memref<1000001x64xf32, #tpu.memory_space<hbm>> -> memref<1x64xf32, #tpu.memory_space<hbm>>
        %dma_start3A_360 = arith.constant 0 : i32
        %dma_start3A_361 = tpu.memref_slice %arg13[%add3A_353, %dma_start3A_360] : memref<128x64xf32, #tpu.memory_space<vmem>> -> memref<1x64xf32, #tpu.memory_space<vmem>>
        %dma_start3A_362 = arith.constant 0 : i32
        %dma_start3A_363 = tpu.memref_slice %arg6[%squeeze3A_355, %dma_start3A_362] : memref<1000001x64xf32, #tpu.memory_space<hbm>> -> memref<1x64xf32, #tpu.memory_space<hbm>>
        tpu.enqueue_dma source(%dma_start3A_363 : memref<1x64xf32, #tpu.memory_space<hbm>>) target(%dma_start3A_361 : memref<1x64xf32, #tpu.memory_space<vmem>>) target_semaphore(%arg17 : memref<!tpu.dma_semaphore, #tpu.memory_space<semaphore_mem>>)
        %slice3A_364 = vector.extract_strided_slice %get3A_73 {offsets = [8], sizes = [1], strides = [1]} : vector<16xi32> to vector<1xi32>
        %squeeze3A_365 = vector.extract %slice3A_364[0] : i32 from vector<1xi32>
        %dma_start3A_366 = arith.constant 0 : i32
        %dma_start3A_367 = tpu.memref_slice %arg14[%add3A_353, %dma_start3A_366] : memref<128x64xf32, #tpu.memory_space<vmem>> -> memref<1x64xf32, #tpu.memory_space<vmem>>
        %dma_start3A_368 = arith.constant 0 : i32
        %dma_start3A_369 = tpu.memref_slice %arg7[%squeeze3A_365, %dma_start3A_368] : memref<100001x64xf32, #tpu.memory_space<hbm>> -> memref<1x64xf32, #tpu.memory_space<hbm>>
        %dma_start3A_370 = arith.constant 0 : i32
        %dma_start3A_371 = tpu.memref_slice %arg14[%add3A_353, %dma_start3A_370] : memref<128x64xf32, #tpu.memory_space<vmem>> -> memref<1x64xf32, #tpu.memory_space<vmem>>
        %dma_start3A_372 = arith.constant 0 : i32
        %dma_start3A_373 = tpu.memref_slice %arg7[%squeeze3A_365, %dma_start3A_372] : memref<100001x64xf32, #tpu.memory_space<hbm>> -> memref<1x64xf32, #tpu.memory_space<hbm>>
        tpu.enqueue_dma source(%dma_start3A_373 : memref<1x64xf32, #tpu.memory_space<hbm>>) target(%dma_start3A_371 : memref<1x64xf32, #tpu.memory_space<vmem>>) target_semaphore(%arg17 : memref<!tpu.dma_semaphore, #tpu.memory_space<semaphore_mem>>)
        %slice3A_374 = vector.extract_strided_slice %get3A_79 {offsets = [8], sizes = [1], strides = [1]} : vector<16xi32> to vector<1xi32>
        %squeeze3A_375 = vector.extract %slice3A_374[0] : i32 from vector<1xi32>
        %dma_start3A_376 = arith.constant 0 : i32
        %dma_start3A_377 = tpu.memref_slice %arg15[%add3A_353, %dma_start3A_376] : memref<128x64xf32, #tpu.memory_space<vmem>> -> memref<1x64xf32, #tpu.memory_space<vmem>>
        %dma_start3A_378 = arith.constant 0 : i32
        %dma_start3A_379 = tpu.memref_slice %arg8[%squeeze3A_375, %dma_start3A_378] : memref<1001x64xf32, #tpu.memory_space<hbm>> -> memref<1x64xf32, #tpu.memory_space<hbm>>
        %dma_start3A_380 = arith.constant 0 : i32
        %dma_start3A_381 = tpu.memref_slice %arg15[%add3A_353, %dma_start3A_380] : memref<128x64xf32, #tpu.memory_space<vmem>> -> memref<1x64xf32, #tpu.memory_space<vmem>>
        %dma_start3A_382 = arith.constant 0 : i32
        %dma_start3A_383 = tpu.memref_slice %arg8[%squeeze3A_375, %dma_start3A_382] : memref<1001x64xf32, #tpu.memory_space<hbm>> -> memref<1x64xf32, #tpu.memory_space<hbm>>
        tpu.enqueue_dma source(%dma_start3A_383 : memref<1x64xf32, #tpu.memory_space<hbm>>) target(%dma_start3A_381 : memref<1x64xf32, #tpu.memory_space<vmem>>) target_semaphore(%arg17 : memref<!tpu.dma_semaphore, #tpu.memory_space<semaphore_mem>>)
        %mul3A_384 = arith.constant 16 : i32
        %mul3A_385 = arith.muli %scan3A_62, %mul3A_384 : i32
        %add3A_386 = arith.constant 9 : i32
        %add3A_387 = arith.addi %mul3A_385, %add3A_386 : i32
        %slice3A_388 = vector.extract_strided_slice %get3A_67 {offsets = [9], sizes = [1], strides = [1]} : vector<16xi32> to vector<1xi32>
        %squeeze3A_389 = vector.extract %slice3A_388[0] : i32 from vector<1xi32>
        %dma_start3A_390 = arith.constant 0 : i32
        %dma_start3A_391 = tpu.memref_slice %arg13[%add3A_387, %dma_start3A_390] : memref<128x64xf32, #tpu.memory_space<vmem>> -> memref<1x64xf32, #tpu.memory_space<vmem>>
        %dma_start3A_392 = arith.constant 0 : i32
        %dma_start3A_393 = tpu.memref_slice %arg6[%squeeze3A_389, %dma_start3A_392] : memref<1000001x64xf32, #tpu.memory_space<hbm>> -> memref<1x64xf32, #tpu.memory_space<hbm>>
        %dma_start3A_394 = arith.constant 0 : i32
        %dma_start3A_395 = tpu.memref_slice %arg13[%add3A_387, %dma_start3A_394] : memref<128x64xf32, #tpu.memory_space<vmem>> -> memref<1x64xf32, #tpu.memory_space<vmem>>
        %dma_start3A_396 = arith.constant 0 : i32
        %dma_start3A_397 = tpu.memref_slice %arg6[%squeeze3A_389, %dma_start3A_396] : memref<1000001x64xf32, #tpu.memory_space<hbm>> -> memref<1x64xf32, #tpu.memory_space<hbm>>
        tpu.enqueue_dma source(%dma_start3A_397 : memref<1x64xf32, #tpu.memory_space<hbm>>) target(%dma_start3A_395 : memref<1x64xf32, #tpu.memory_space<vmem>>) target_semaphore(%arg17 : memref<!tpu.dma_semaphore, #tpu.memory_space<semaphore_mem>>)
        %slice3A_398 = vector.extract_strided_slice %get3A_73 {offsets = [9], sizes = [1], strides = [1]} : vector<16xi32> to vector<1xi32>
        %squeeze3A_399 = vector.extract %slice3A_398[0] : i32 from vector<1xi32>
        %dma_start3A_400 = arith.constant 0 : i32
        %dma_start3A_401 = tpu.memref_slice %arg14[%add3A_387, %dma_start3A_400] : memref<128x64xf32, #tpu.memory_space<vmem>> -> memref<1x64xf32, #tpu.memory_space<vmem>>
        %dma_start3A_402 = arith.constant 0 : i32
        %dma_start3A_403 = tpu.memref_slice %arg7[%squeeze3A_399, %dma_start3A_402] : memref<100001x64xf32, #tpu.memory_space<hbm>> -> memref<1x64xf32, #tpu.memory_space<hbm>>
        %dma_start3A_404 = arith.constant 0 : i32
        %dma_start3A_405 = tpu.memref_slice %arg14[%add3A_387, %dma_start3A_404] : memref<128x64xf32, #tpu.memory_space<vmem>> -> memref<1x64xf32, #tpu.memory_space<vmem>>
        %dma_start3A_406 = arith.constant 0 : i32
        %dma_start3A_407 = tpu.memref_slice %arg7[%squeeze3A_399, %dma_start3A_406] : memref<100001x64xf32, #tpu.memory_space<hbm>> -> memref<1x64xf32, #tpu.memory_space<hbm>>
        tpu.enqueue_dma source(%dma_start3A_407 : memref<1x64xf32, #tpu.memory_space<hbm>>) target(%dma_start3A_405 : memref<1x64xf32, #tpu.memory_space<vmem>>) target_semaphore(%arg17 : memref<!tpu.dma_semaphore, #tpu.memory_space<semaphore_mem>>)
        %slice3A_408 = vector.extract_strided_slice %get3A_79 {offsets = [9], sizes = [1], strides = [1]} : vector<16xi32> to vector<1xi32>
        %squeeze3A_409 = vector.extract %slice3A_408[0] : i32 from vector<1xi32>
        %dma_start3A_410 = arith.constant 0 : i32
        %dma_start3A_411 = tpu.memref_slice %arg15[%add3A_387, %dma_start3A_410] : memref<128x64xf32, #tpu.memory_space<vmem>> -> memref<1x64xf32, #tpu.memory_space<vmem>>
        %dma_start3A_412 = arith.constant 0 : i32
        %dma_start3A_413 = tpu.memref_slice %arg8[%squeeze3A_409, %dma_start3A_412] : memref<1001x64xf32, #tpu.memory_space<hbm>> -> memref<1x64xf32, #tpu.memory_space<hbm>>
        %dma_start3A_414 = arith.constant 0 : i32
        %dma_start3A_415 = tpu.memref_slice %arg15[%add3A_387, %dma_start3A_414] : memref<128x64xf32, #tpu.memory_space<vmem>> -> memref<1x64xf32, #tpu.memory_space<vmem>>
        %dma_start3A_416 = arith.constant 0 : i32
        %dma_start3A_417 = tpu.memref_slice %arg8[%squeeze3A_409, %dma_start3A_416] : memref<1001x64xf32, #tpu.memory_space<hbm>> -> memref<1x64xf32, #tpu.memory_space<hbm>>
        tpu.enqueue_dma source(%dma_start3A_417 : memref<1x64xf32, #tpu.memory_space<hbm>>) target(%dma_start3A_415 : memref<1x64xf32, #tpu.memory_space<vmem>>) target_semaphore(%arg17 : memref<!tpu.dma_semaphore, #tpu.memory_space<semaphore_mem>>)
        %mul3A_418 = arith.constant 16 : i32
        %mul3A_419 = arith.muli %scan3A_62, %mul3A_418 : i32
        %add3A_420 = arith.constant 10 : i32
        %add3A_421 = arith.addi %mul3A_419, %add3A_420 : i32
        %slice3A_422 = vector.extract_strided_slice %get3A_67 {offsets = [10], sizes = [1], strides = [1]} : vector<16xi32> to vector<1xi32>
        %squeeze3A_423 = vector.extract %slice3A_422[0] : i32 from vector<1xi32>
        %dma_start3A_424 = arith.constant 0 : i32
        %dma_start3A_425 = tpu.memref_slice %arg13[%add3A_421, %dma_start3A_424] : memref<128x64xf32, #tpu.memory_space<vmem>> -> memref<1x64xf32, #tpu.memory_space<vmem>>
        %dma_start3A_426 = arith.constant 0 : i32
        %dma_start3A_427 = tpu.memref_slice %arg6[%squeeze3A_423, %dma_start3A_426] : memref<1000001x64xf32, #tpu.memory_space<hbm>> -> memref<1x64xf32, #tpu.memory_space<hbm>>
        %dma_start3A_428 = arith.constant 0 : i32
        %dma_start3A_429 = tpu.memref_slice %arg13[%add3A_421, %dma_start3A_428] : memref<128x64xf32, #tpu.memory_space<vmem>> -> memref<1x64xf32, #tpu.memory_space<vmem>>
        %dma_start3A_430 = arith.constant 0 : i32
        %dma_start3A_431 = tpu.memref_slice %arg6[%squeeze3A_423, %dma_start3A_430] : memref<1000001x64xf32, #tpu.memory_space<hbm>> -> memref<1x64xf32, #tpu.memory_space<hbm>>
        tpu.enqueue_dma source(%dma_start3A_431 : memref<1x64xf32, #tpu.memory_space<hbm>>) target(%dma_start3A_429 : memref<1x64xf32, #tpu.memory_space<vmem>>) target_semaphore(%arg17 : memref<!tpu.dma_semaphore, #tpu.memory_space<semaphore_mem>>)
        %slice3A_432 = vector.extract_strided_slice %get3A_73 {offsets = [10], sizes = [1], strides = [1]} : vector<16xi32> to vector<1xi32>
        %squeeze3A_433 = vector.extract %slice3A_432[0] : i32 from vector<1xi32>
        %dma_start3A_434 = arith.constant 0 : i32
        %dma_start3A_435 = tpu.memref_slice %arg14[%add3A_421, %dma_start3A_434] : memref<128x64xf32, #tpu.memory_space<vmem>> -> memref<1x64xf32, #tpu.memory_space<vmem>>
        %dma_start3A_436 = arith.constant 0 : i32
        %dma_start3A_437 = tpu.memref_slice %arg7[%squeeze3A_433, %dma_start3A_436] : memref<100001x64xf32, #tpu.memory_space<hbm>> -> memref<1x64xf32, #tpu.memory_space<hbm>>
        %dma_start3A_438 = arith.constant 0 : i32
        %dma_start3A_439 = tpu.memref_slice %arg14[%add3A_421, %dma_start3A_438] : memref<128x64xf32, #tpu.memory_space<vmem>> -> memref<1x64xf32, #tpu.memory_space<vmem>>
        %dma_start3A_440 = arith.constant 0 : i32
        %dma_start3A_441 = tpu.memref_slice %arg7[%squeeze3A_433, %dma_start3A_440] : memref<100001x64xf32, #tpu.memory_space<hbm>> -> memref<1x64xf32, #tpu.memory_space<hbm>>
        tpu.enqueue_dma source(%dma_start3A_441 : memref<1x64xf32, #tpu.memory_space<hbm>>) target(%dma_start3A_439 : memref<1x64xf32, #tpu.memory_space<vmem>>) target_semaphore(%arg17 : memref<!tpu.dma_semaphore, #tpu.memory_space<semaphore_mem>>)
        %slice3A_442 = vector.extract_strided_slice %get3A_79 {offsets = [10], sizes = [1], strides = [1]} : vector<16xi32> to vector<1xi32>
        %squeeze3A_443 = vector.extract %slice3A_442[0] : i32 from vector<1xi32>
        %dma_start3A_444 = arith.constant 0 : i32
        %dma_start3A_445 = tpu.memref_slice %arg15[%add3A_421, %dma_start3A_444] : memref<128x64xf32, #tpu.memory_space<vmem>> -> memref<1x64xf32, #tpu.memory_space<vmem>>
        %dma_start3A_446 = arith.constant 0 : i32
        %dma_start3A_447 = tpu.memref_slice %arg8[%squeeze3A_443, %dma_start3A_446] : memref<1001x64xf32, #tpu.memory_space<hbm>> -> memref<1x64xf32, #tpu.memory_space<hbm>>
        %dma_start3A_448 = arith.constant 0 : i32
        %dma_start3A_449 = tpu.memref_slice %arg15[%add3A_421, %dma_start3A_448] : memref<128x64xf32, #tpu.memory_space<vmem>> -> memref<1x64xf32, #tpu.memory_space<vmem>>
        %dma_start3A_450 = arith.constant 0 : i32
        %dma_start3A_451 = tpu.memref_slice %arg8[%squeeze3A_443, %dma_start3A_450] : memref<1001x64xf32, #tpu.memory_space<hbm>> -> memref<1x64xf32, #tpu.memory_space<hbm>>
        tpu.enqueue_dma source(%dma_start3A_451 : memref<1x64xf32, #tpu.memory_space<hbm>>) target(%dma_start3A_449 : memref<1x64xf32, #tpu.memory_space<vmem>>) target_semaphore(%arg17 : memref<!tpu.dma_semaphore, #tpu.memory_space<semaphore_mem>>)
        %mul3A_452 = arith.constant 16 : i32
        %mul3A_453 = arith.muli %scan3A_62, %mul3A_452 : i32
        %add3A_454 = arith.constant 11 : i32
        %add3A_455 = arith.addi %mul3A_453, %add3A_454 : i32
        %slice3A_456 = vector.extract_strided_slice %get3A_67 {offsets = [11], sizes = [1], strides = [1]} : vector<16xi32> to vector<1xi32>
        %squeeze3A_457 = vector.extract %slice3A_456[0] : i32 from vector<1xi32>
        %dma_start3A_458 = arith.constant 0 : i32
        %dma_start3A_459 = tpu.memref_slice %arg13[%add3A_455, %dma_start3A_458] : memref<128x64xf32, #tpu.memory_space<vmem>> -> memref<1x64xf32, #tpu.memory_space<vmem>>
        %dma_start3A_460 = arith.constant 0 : i32
        %dma_start3A_461 = tpu.memref_slice %arg6[%squeeze3A_457, %dma_start3A_460] : memref<1000001x64xf32, #tpu.memory_space<hbm>> -> memref<1x64xf32, #tpu.memory_space<hbm>>
        %dma_start3A_462 = arith.constant 0 : i32
        %dma_start3A_463 = tpu.memref_slice %arg13[%add3A_455, %dma_start3A_462] : memref<128x64xf32, #tpu.memory_space<vmem>> -> memref<1x64xf32, #tpu.memory_space<vmem>>
        %dma_start3A_464 = arith.constant 0 : i32
        %dma_start3A_465 = tpu.memref_slice %arg6[%squeeze3A_457, %dma_start3A_464] : memref<1000001x64xf32, #tpu.memory_space<hbm>> -> memref<1x64xf32, #tpu.memory_space<hbm>>
        tpu.enqueue_dma source(%dma_start3A_465 : memref<1x64xf32, #tpu.memory_space<hbm>>) target(%dma_start3A_463 : memref<1x64xf32, #tpu.memory_space<vmem>>) target_semaphore(%arg17 : memref<!tpu.dma_semaphore, #tpu.memory_space<semaphore_mem>>)
        %slice3A_466 = vector.extract_strided_slice %get3A_73 {offsets = [11], sizes = [1], strides = [1]} : vector<16xi32> to vector<1xi32>
        %squeeze3A_467 = vector.extract %slice3A_466[0] : i32 from vector<1xi32>
        %dma_start3A_468 = arith.constant 0 : i32
        %dma_start3A_469 = tpu.memref_slice %arg14[%add3A_455, %dma_start3A_468] : memref<128x64xf32, #tpu.memory_space<vmem>> -> memref<1x64xf32, #tpu.memory_space<vmem>>
        %dma_start3A_470 = arith.constant 0 : i32
        %dma_start3A_471 = tpu.memref_slice %arg7[%squeeze3A_467, %dma_start3A_470] : memref<100001x64xf32, #tpu.memory_space<hbm>> -> memref<1x64xf32, #tpu.memory_space<hbm>>
        %dma_start3A_472 = arith.constant 0 : i32
        %dma_start3A_473 = tpu.memref_slice %arg14[%add3A_455, %dma_start3A_472] : memref<128x64xf32, #tpu.memory_space<vmem>> -> memref<1x64xf32, #tpu.memory_space<vmem>>
        %dma_start3A_474 = arith.constant 0 : i32
        %dma_start3A_475 = tpu.memref_slice %arg7[%squeeze3A_467, %dma_start3A_474] : memref<100001x64xf32, #tpu.memory_space<hbm>> -> memref<1x64xf32, #tpu.memory_space<hbm>>
        tpu.enqueue_dma source(%dma_start3A_475 : memref<1x64xf32, #tpu.memory_space<hbm>>) target(%dma_start3A_473 : memref<1x64xf32, #tpu.memory_space<vmem>>) target_semaphore(%arg17 : memref<!tpu.dma_semaphore, #tpu.memory_space<semaphore_mem>>)
        %slice3A_476 = vector.extract_strided_slice %get3A_79 {offsets = [11], sizes = [1], strides = [1]} : vector<16xi32> to vector<1xi32>
        %squeeze3A_477 = vector.extract %slice3A_476[0] : i32 from vector<1xi32>
        %dma_start3A_478 = arith.constant 0 : i32
        %dma_start3A_479 = tpu.memref_slice %arg15[%add3A_455, %dma_start3A_478] : memref<128x64xf32, #tpu.memory_space<vmem>> -> memref<1x64xf32, #tpu.memory_space<vmem>>
        %dma_start3A_480 = arith.constant 0 : i32
        %dma_start3A_481 = tpu.memref_slice %arg8[%squeeze3A_477, %dma_start3A_480] : memref<1001x64xf32, #tpu.memory_space<hbm>> -> memref<1x64xf32, #tpu.memory_space<hbm>>
        %dma_start3A_482 = arith.constant 0 : i32
        %dma_start3A_483 = tpu.memref_slice %arg15[%add3A_455, %dma_start3A_482] : memref<128x64xf32, #tpu.memory_space<vmem>> -> memref<1x64xf32, #tpu.memory_space<vmem>>
        %dma_start3A_484 = arith.constant 0 : i32
        %dma_start3A_485 = tpu.memref_slice %arg8[%squeeze3A_477, %dma_start3A_484] : memref<1001x64xf32, #tpu.memory_space<hbm>> -> memref<1x64xf32, #tpu.memory_space<hbm>>
        tpu.enqueue_dma source(%dma_start3A_485 : memref<1x64xf32, #tpu.memory_space<hbm>>) target(%dma_start3A_483 : memref<1x64xf32, #tpu.memory_space<vmem>>) target_semaphore(%arg17 : memref<!tpu.dma_semaphore, #tpu.memory_space<semaphore_mem>>)
        %mul3A_486 = arith.constant 16 : i32
        %mul3A_487 = arith.muli %scan3A_62, %mul3A_486 : i32
        %add3A_488 = arith.constant 12 : i32
        %add3A_489 = arith.addi %mul3A_487, %add3A_488 : i32
        %slice3A_490 = vector.extract_strided_slice %get3A_67 {offsets = [12], sizes = [1], strides = [1]} : vector<16xi32> to vector<1xi32>
        %squeeze3A_491 = vector.extract %slice3A_490[0] : i32 from vector<1xi32>
        %dma_start3A_492 = arith.constant 0 : i32
        %dma_start3A_493 = tpu.memref_slice %arg13[%add3A_489, %dma_start3A_492] : memref<128x64xf32, #tpu.memory_space<vmem>> -> memref<1x64xf32, #tpu.memory_space<vmem>>
        %dma_start3A_494 = arith.constant 0 : i32
        %dma_start3A_495 = tpu.memref_slice %arg6[%squeeze3A_491, %dma_start3A_494] : memref<1000001x64xf32, #tpu.memory_space<hbm>> -> memref<1x64xf32, #tpu.memory_space<hbm>>
        %dma_start3A_496 = arith.constant 0 : i32
        %dma_start3A_497 = tpu.memref_slice %arg13[%add3A_489, %dma_start3A_496] : memref<128x64xf32, #tpu.memory_space<vmem>> -> memref<1x64xf32, #tpu.memory_space<vmem>>
        %dma_start3A_498 = arith.constant 0 : i32
        %dma_start3A_499 = tpu.memref_slice %arg6[%squeeze3A_491, %dma_start3A_498] : memref<1000001x64xf32, #tpu.memory_space<hbm>> -> memref<1x64xf32, #tpu.memory_space<hbm>>
        tpu.enqueue_dma source(%dma_start3A_499 : memref<1x64xf32, #tpu.memory_space<hbm>>) target(%dma_start3A_497 : memref<1x64xf32, #tpu.memory_space<vmem>>) target_semaphore(%arg17 : memref<!tpu.dma_semaphore, #tpu.memory_space<semaphore_mem>>)
        %slice3A_500 = vector.extract_strided_slice %get3A_73 {offsets = [12], sizes = [1], strides = [1]} : vector<16xi32> to vector<1xi32>
        %squeeze3A_501 = vector.extract %slice3A_500[0] : i32 from vector<1xi32>
        %dma_start3A_502 = arith.constant 0 : i32
        %dma_start3A_503 = tpu.memref_slice %arg14[%add3A_489, %dma_start3A_502] : memref<128x64xf32, #tpu.memory_space<vmem>> -> memref<1x64xf32, #tpu.memory_space<vmem>>
        %dma_start3A_504 = arith.constant 0 : i32
        %dma_start3A_505 = tpu.memref_slice %arg7[%squeeze3A_501, %dma_start3A_504] : memref<100001x64xf32, #tpu.memory_space<hbm>> -> memref<1x64xf32, #tpu.memory_space<hbm>>
        %dma_start3A_506 = arith.constant 0 : i32
        %dma_start3A_507 = tpu.memref_slice %arg14[%add3A_489, %dma_start3A_506] : memref<128x64xf32, #tpu.memory_space<vmem>> -> memref<1x64xf32, #tpu.memory_space<vmem>>
        %dma_start3A_508 = arith.constant 0 : i32
        %dma_start3A_509 = tpu.memref_slice %arg7[%squeeze3A_501, %dma_start3A_508] : memref<100001x64xf32, #tpu.memory_space<hbm>> -> memref<1x64xf32, #tpu.memory_space<hbm>>
        tpu.enqueue_dma source(%dma_start3A_509 : memref<1x64xf32, #tpu.memory_space<hbm>>) target(%dma_start3A_507 : memref<1x64xf32, #tpu.memory_space<vmem>>) target_semaphore(%arg17 : memref<!tpu.dma_semaphore, #tpu.memory_space<semaphore_mem>>)
        %slice3A_510 = vector.extract_strided_slice %get3A_79 {offsets = [12], sizes = [1], strides = [1]} : vector<16xi32> to vector<1xi32>
        %squeeze3A_511 = vector.extract %slice3A_510[0] : i32 from vector<1xi32>
        %dma_start3A_512 = arith.constant 0 : i32
        %dma_start3A_513 = tpu.memref_slice %arg15[%add3A_489, %dma_start3A_512] : memref<128x64xf32, #tpu.memory_space<vmem>> -> memref<1x64xf32, #tpu.memory_space<vmem>>
        %dma_start3A_514 = arith.constant 0 : i32
        %dma_start3A_515 = tpu.memref_slice %arg8[%squeeze3A_511, %dma_start3A_514] : memref<1001x64xf32, #tpu.memory_space<hbm>> -> memref<1x64xf32, #tpu.memory_space<hbm>>
        %dma_start3A_516 = arith.constant 0 : i32
        %dma_start3A_517 = tpu.memref_slice %arg15[%add3A_489, %dma_start3A_516] : memref<128x64xf32, #tpu.memory_space<vmem>> -> memref<1x64xf32, #tpu.memory_space<vmem>>
        %dma_start3A_518 = arith.constant 0 : i32
        %dma_start3A_519 = tpu.memref_slice %arg8[%squeeze3A_511, %dma_start3A_518] : memref<1001x64xf32, #tpu.memory_space<hbm>> -> memref<1x64xf32, #tpu.memory_space<hbm>>
        tpu.enqueue_dma source(%dma_start3A_519 : memref<1x64xf32, #tpu.memory_space<hbm>>) target(%dma_start3A_517 : memref<1x64xf32, #tpu.memory_space<vmem>>) target_semaphore(%arg17 : memref<!tpu.dma_semaphore, #tpu.memory_space<semaphore_mem>>)
        %mul3A_520 = arith.constant 16 : i32
        %mul3A_521 = arith.muli %scan3A_62, %mul3A_520 : i32
        %add3A_522 = arith.constant 13 : i32
        %add3A_523 = arith.addi %mul3A_521, %add3A_522 : i32
        %slice3A_524 = vector.extract_strided_slice %get3A_67 {offsets = [13], sizes = [1], strides = [1]} : vector<16xi32> to vector<1xi32>
        %squeeze3A_525 = vector.extract %slice3A_524[0] : i32 from vector<1xi32>
        %dma_start3A_526 = arith.constant 0 : i32
        %dma_start3A_527 = tpu.memref_slice %arg13[%add3A_523, %dma_start3A_526] : memref<128x64xf32, #tpu.memory_space<vmem>> -> memref<1x64xf32, #tpu.memory_space<vmem>>
        %dma_start3A_528 = arith.constant 0 : i32
        %dma_start3A_529 = tpu.memref_slice %arg6[%squeeze3A_525, %dma_start3A_528] : memref<1000001x64xf32, #tpu.memory_space<hbm>> -> memref<1x64xf32, #tpu.memory_space<hbm>>
        %dma_start3A_530 = arith.constant 0 : i32
        %dma_start3A_531 = tpu.memref_slice %arg13[%add3A_523, %dma_start3A_530] : memref<128x64xf32, #tpu.memory_space<vmem>> -> memref<1x64xf32, #tpu.memory_space<vmem>>
        %dma_start3A_532 = arith.constant 0 : i32
        %dma_start3A_533 = tpu.memref_slice %arg6[%squeeze3A_525, %dma_start3A_532] : memref<1000001x64xf32, #tpu.memory_space<hbm>> -> memref<1x64xf32, #tpu.memory_space<hbm>>
        tpu.enqueue_dma source(%dma_start3A_533 : memref<1x64xf32, #tpu.memory_space<hbm>>) target(%dma_start3A_531 : memref<1x64xf32, #tpu.memory_space<vmem>>) target_semaphore(%arg17 : memref<!tpu.dma_semaphore, #tpu.memory_space<semaphore_mem>>)
        %slice3A_534 = vector.extract_strided_slice %get3A_73 {offsets = [13], sizes = [1], strides = [1]} : vector<16xi32> to vector<1xi32>
        %squeeze3A_535 = vector.extract %slice3A_534[0] : i32 from vector<1xi32>
        %dma_start3A_536 = arith.constant 0 : i32
        %dma_start3A_537 = tpu.memref_slice %arg14[%add3A_523, %dma_start3A_536] : memref<128x64xf32, #tpu.memory_space<vmem>> -> memref<1x64xf32, #tpu.memory_space<vmem>>
        %dma_start3A_538 = arith.constant 0 : i32
        %dma_start3A_539 = tpu.memref_slice %arg7[%squeeze3A_535, %dma_start3A_538] : memref<100001x64xf32, #tpu.memory_space<hbm>> -> memref<1x64xf32, #tpu.memory_space<hbm>>
        %dma_start3A_540 = arith.constant 0 : i32
        %dma_start3A_541 = tpu.memref_slice %arg14[%add3A_523, %dma_start3A_540] : memref<128x64xf32, #tpu.memory_space<vmem>> -> memref<1x64xf32, #tpu.memory_space<vmem>>
        %dma_start3A_542 = arith.constant 0 : i32
        %dma_start3A_543 = tpu.memref_slice %arg7[%squeeze3A_535, %dma_start3A_542] : memref<100001x64xf32, #tpu.memory_space<hbm>> -> memref<1x64xf32, #tpu.memory_space<hbm>>
        tpu.enqueue_dma source(%dma_start3A_543 : memref<1x64xf32, #tpu.memory_space<hbm>>) target(%dma_start3A_541 : memref<1x64xf32, #tpu.memory_space<vmem>>) target_semaphore(%arg17 : memref<!tpu.dma_semaphore, #tpu.memory_space<semaphore_mem>>)
        %slice3A_544 = vector.extract_strided_slice %get3A_79 {offsets = [13], sizes = [1], strides = [1]} : vector<16xi32> to vector<1xi32>
        %squeeze3A_545 = vector.extract %slice3A_544[0] : i32 from vector<1xi32>
        %dma_start3A_546 = arith.constant 0 : i32
        %dma_start3A_547 = tpu.memref_slice %arg15[%add3A_523, %dma_start3A_546] : memref<128x64xf32, #tpu.memory_space<vmem>> -> memref<1x64xf32, #tpu.memory_space<vmem>>
        %dma_start3A_548 = arith.constant 0 : i32
        %dma_start3A_549 = tpu.memref_slice %arg8[%squeeze3A_545, %dma_start3A_548] : memref<1001x64xf32, #tpu.memory_space<hbm>> -> memref<1x64xf32, #tpu.memory_space<hbm>>
        %dma_start3A_550 = arith.constant 0 : i32
        %dma_start3A_551 = tpu.memref_slice %arg15[%add3A_523, %dma_start3A_550] : memref<128x64xf32, #tpu.memory_space<vmem>> -> memref<1x64xf32, #tpu.memory_space<vmem>>
        %dma_start3A_552 = arith.constant 0 : i32
        %dma_start3A_553 = tpu.memref_slice %arg8[%squeeze3A_545, %dma_start3A_552] : memref<1001x64xf32, #tpu.memory_space<hbm>> -> memref<1x64xf32, #tpu.memory_space<hbm>>
        tpu.enqueue_dma source(%dma_start3A_553 : memref<1x64xf32, #tpu.memory_space<hbm>>) target(%dma_start3A_551 : memref<1x64xf32, #tpu.memory_space<vmem>>) target_semaphore(%arg17 : memref<!tpu.dma_semaphore, #tpu.memory_space<semaphore_mem>>)
        %mul3A_554 = arith.constant 16 : i32
        %mul3A_555 = arith.muli %scan3A_62, %mul3A_554 : i32
        %add3A_556 = arith.constant 14 : i32
        %add3A_557 = arith.addi %mul3A_555, %add3A_556 : i32
        %slice3A_558 = vector.extract_strided_slice %get3A_67 {offsets = [14], sizes = [1], strides = [1]} : vector<16xi32> to vector<1xi32>
        %squeeze3A_559 = vector.extract %slice3A_558[0] : i32 from vector<1xi32>
        %dma_start3A_560 = arith.constant 0 : i32
        %dma_start3A_561 = tpu.memref_slice %arg13[%add3A_557, %dma_start3A_560] : memref<128x64xf32, #tpu.memory_space<vmem>> -> memref<1x64xf32, #tpu.memory_space<vmem>>
        %dma_start3A_562 = arith.constant 0 : i32
        %dma_start3A_563 = tpu.memref_slice %arg6[%squeeze3A_559, %dma_start3A_562] : memref<1000001x64xf32, #tpu.memory_space<hbm>> -> memref<1x64xf32, #tpu.memory_space<hbm>>
        %dma_start3A_564 = arith.constant 0 : i32
        %dma_start3A_565 = tpu.memref_slice %arg13[%add3A_557, %dma_start3A_564] : memref<128x64xf32, #tpu.memory_space<vmem>> -> memref<1x64xf32, #tpu.memory_space<vmem>>
        %dma_start3A_566 = arith.constant 0 : i32
        %dma_start3A_567 = tpu.memref_slice %arg6[%squeeze3A_559, %dma_start3A_566] : memref<1000001x64xf32, #tpu.memory_space<hbm>> -> memref<1x64xf32, #tpu.memory_space<hbm>>
        tpu.enqueue_dma source(%dma_start3A_567 : memref<1x64xf32, #tpu.memory_space<hbm>>) target(%dma_start3A_565 : memref<1x64xf32, #tpu.memory_space<vmem>>) target_semaphore(%arg17 : memref<!tpu.dma_semaphore, #tpu.memory_space<semaphore_mem>>)
        %slice3A_568 = vector.extract_strided_slice %get3A_73 {offsets = [14], sizes = [1], strides = [1]} : vector<16xi32> to vector<1xi32>
        %squeeze3A_569 = vector.extract %slice3A_568[0] : i32 from vector<1xi32>
        %dma_start3A_570 = arith.constant 0 : i32
        %dma_start3A_571 = tpu.memref_slice %arg14[%add3A_557, %dma_start3A_570] : memref<128x64xf32, #tpu.memory_space<vmem>> -> memref<1x64xf32, #tpu.memory_space<vmem>>
        %dma_start3A_572 = arith.constant 0 : i32
        %dma_start3A_573 = tpu.memref_slice %arg7[%squeeze3A_569, %dma_start3A_572] : memref<100001x64xf32, #tpu.memory_space<hbm>> -> memref<1x64xf32, #tpu.memory_space<hbm>>
        %dma_start3A_574 = arith.constant 0 : i32
        %dma_start3A_575 = tpu.memref_slice %arg14[%add3A_557, %dma_start3A_574] : memref<128x64xf32, #tpu.memory_space<vmem>> -> memref<1x64xf32, #tpu.memory_space<vmem>>
        %dma_start3A_576 = arith.constant 0 : i32
        %dma_start3A_577 = tpu.memref_slice %arg7[%squeeze3A_569, %dma_start3A_576] : memref<100001x64xf32, #tpu.memory_space<hbm>> -> memref<1x64xf32, #tpu.memory_space<hbm>>
        tpu.enqueue_dma source(%dma_start3A_577 : memref<1x64xf32, #tpu.memory_space<hbm>>) target(%dma_start3A_575 : memref<1x64xf32, #tpu.memory_space<vmem>>) target_semaphore(%arg17 : memref<!tpu.dma_semaphore, #tpu.memory_space<semaphore_mem>>)
        %slice3A_578 = vector.extract_strided_slice %get3A_79 {offsets = [14], sizes = [1], strides = [1]} : vector<16xi32> to vector<1xi32>
        %squeeze3A_579 = vector.extract %slice3A_578[0] : i32 from vector<1xi32>
        %dma_start3A_580 = arith.constant 0 : i32
        %dma_start3A_581 = tpu.memref_slice %arg15[%add3A_557, %dma_start3A_580] : memref<128x64xf32, #tpu.memory_space<vmem>> -> memref<1x64xf32, #tpu.memory_space<vmem>>
        %dma_start3A_582 = arith.constant 0 : i32
        %dma_start3A_583 = tpu.memref_slice %arg8[%squeeze3A_579, %dma_start3A_582] : memref<1001x64xf32, #tpu.memory_space<hbm>> -> memref<1x64xf32, #tpu.memory_space<hbm>>
        %dma_start3A_584 = arith.constant 0 : i32
        %dma_start3A_585 = tpu.memref_slice %arg15[%add3A_557, %dma_start3A_584] : memref<128x64xf32, #tpu.memory_space<vmem>> -> memref<1x64xf32, #tpu.memory_space<vmem>>
        %dma_start3A_586 = arith.constant 0 : i32
        %dma_start3A_587 = tpu.memref_slice %arg8[%squeeze3A_579, %dma_start3A_586] : memref<1001x64xf32, #tpu.memory_space<hbm>> -> memref<1x64xf32, #tpu.memory_space<hbm>>
        tpu.enqueue_dma source(%dma_start3A_587 : memref<1x64xf32, #tpu.memory_space<hbm>>) target(%dma_start3A_585 : memref<1x64xf32, #tpu.memory_space<vmem>>) target_semaphore(%arg17 : memref<!tpu.dma_semaphore, #tpu.memory_space<semaphore_mem>>)
        %mul3A_588 = arith.constant 16 : i32
        %mul3A_589 = arith.muli %scan3A_62, %mul3A_588 : i32
        %add3A_590 = arith.constant 15 : i32
        %add3A_591 = arith.addi %mul3A_589, %add3A_590 : i32
        %slice3A_592 = vector.extract_strided_slice %get3A_67 {offsets = [15], sizes = [1], strides = [1]} : vector<16xi32> to vector<1xi32>
        %squeeze3A_593 = vector.extract %slice3A_592[0] : i32 from vector<1xi32>
        %dma_start3A_594 = arith.constant 0 : i32
        %dma_start3A_595 = tpu.memref_slice %arg13[%add3A_591, %dma_start3A_594] : memref<128x64xf32, #tpu.memory_space<vmem>> -> memref<1x64xf32, #tpu.memory_space<vmem>>
        %dma_start3A_596 = arith.constant 0 : i32
        %dma_start3A_597 = tpu.memref_slice %arg6[%squeeze3A_593, %dma_start3A_596] : memref<1000001x64xf32, #tpu.memory_space<hbm>> -> memref<1x64xf32, #tpu.memory_space<hbm>>
        %dma_start3A_598 = arith.constant 0 : i32
        %dma_start3A_599 = tpu.memref_slice %arg13[%add3A_591, %dma_start3A_598] : memref<128x64xf32, #tpu.memory_space<vmem>> -> memref<1x64xf32, #tpu.memory_space<vmem>>
        %dma_start3A_600 = arith.constant 0 : i32
        %dma_start3A_601 = tpu.memref_slice %arg6[%squeeze3A_593, %dma_start3A_600] : memref<1000001x64xf32, #tpu.memory_space<hbm>> -> memref<1x64xf32, #tpu.memory_space<hbm>>
        tpu.enqueue_dma source(%dma_start3A_601 : memref<1x64xf32, #tpu.memory_space<hbm>>) target(%dma_start3A_599 : memref<1x64xf32, #tpu.memory_space<vmem>>) target_semaphore(%arg17 : memref<!tpu.dma_semaphore, #tpu.memory_space<semaphore_mem>>)
        %slice3A_602 = vector.extract_strided_slice %get3A_73 {offsets = [15], sizes = [1], strides = [1]} : vector<16xi32> to vector<1xi32>
        %squeeze3A_603 = vector.extract %slice3A_602[0] : i32 from vector<1xi32>
        %dma_start3A_604 = arith.constant 0 : i32
        %dma_start3A_605 = tpu.memref_slice %arg14[%add3A_591, %dma_start3A_604] : memref<128x64xf32, #tpu.memory_space<vmem>> -> memref<1x64xf32, #tpu.memory_space<vmem>>
        %dma_start3A_606 = arith.constant 0 : i32
        %dma_start3A_607 = tpu.memref_slice %arg7[%squeeze3A_603, %dma_start3A_606] : memref<100001x64xf32, #tpu.memory_space<hbm>> -> memref<1x64xf32, #tpu.memory_space<hbm>>
        %dma_start3A_608 = arith.constant 0 : i32
        %dma_start3A_609 = tpu.memref_slice %arg14[%add3A_591, %dma_start3A_608] : memref<128x64xf32, #tpu.memory_space<vmem>> -> memref<1x64xf32, #tpu.memory_space<vmem>>
        %dma_start3A_610 = arith.constant 0 : i32
        %dma_start3A_611 = tpu.memref_slice %arg7[%squeeze3A_603, %dma_start3A_610] : memref<100001x64xf32, #tpu.memory_space<hbm>> -> memref<1x64xf32, #tpu.memory_space<hbm>>
        tpu.enqueue_dma source(%dma_start3A_611 : memref<1x64xf32, #tpu.memory_space<hbm>>) target(%dma_start3A_609 : memref<1x64xf32, #tpu.memory_space<vmem>>) target_semaphore(%arg17 : memref<!tpu.dma_semaphore, #tpu.memory_space<semaphore_mem>>)
        %slice3A_612 = vector.extract_strided_slice %get3A_79 {offsets = [15], sizes = [1], strides = [1]} : vector<16xi32> to vector<1xi32>
        %squeeze3A_613 = vector.extract %slice3A_612[0] : i32 from vector<1xi32>
        %dma_start3A_614 = arith.constant 0 : i32
        %dma_start3A_615 = tpu.memref_slice %arg15[%add3A_591, %dma_start3A_614] : memref<128x64xf32, #tpu.memory_space<vmem>> -> memref<1x64xf32, #tpu.memory_space<vmem>>
        %dma_start3A_616 = arith.constant 0 : i32
        %dma_start3A_617 = tpu.memref_slice %arg8[%squeeze3A_613, %dma_start3A_616] : memref<1001x64xf32, #tpu.memory_space<hbm>> -> memref<1x64xf32, #tpu.memory_space<hbm>>
        %dma_start3A_618 = arith.constant 0 : i32
        %dma_start3A_619 = tpu.memref_slice %arg15[%add3A_591, %dma_start3A_618] : memref<128x64xf32, #tpu.memory_space<vmem>> -> memref<1x64xf32, #tpu.memory_space<vmem>>
        %dma_start3A_620 = arith.constant 0 : i32
        %dma_start3A_621 = tpu.memref_slice %arg8[%squeeze3A_613, %dma_start3A_620] : memref<1001x64xf32, #tpu.memory_space<hbm>> -> memref<1x64xf32, #tpu.memory_space<hbm>>
        tpu.enqueue_dma source(%dma_start3A_621 : memref<1x64xf32, #tpu.memory_space<hbm>>) target(%dma_start3A_619 : memref<1x64xf32, #tpu.memory_space<vmem>>) target_semaphore(%arg17 : memref<!tpu.dma_semaphore, #tpu.memory_space<semaphore_mem>>)
      }
      %scan3A_33 = arith.constant 8 : i32
      %dma_wait3A_34 = arith.constant 0 : i32
      %dma_wait3A_35 = arith.constant 0 : i32
      %dma_wait3A_36 = tpu.memref_slice %arg6[%dma_wait3A_34, %dma_wait3A_35] : memref<1000001x64xf32, #tpu.memory_space<hbm>> -> memref<128x64xf32, #tpu.memory_space<hbm>>
      %dma_wait3A_37 = arith.constant 0 : i32
      %dma_wait3A_38 = arith.constant 0 : i32
      %dma_wait3A_39 = tpu.memref_slice %arg6[%dma_wait3A_37, %dma_wait3A_38] : memref<1000001x64xf32, #tpu.memory_space<hbm>> -> memref<128x64xf32, #tpu.memory_space<hbm>>
      tpu.wait_dma2 semaphore(%arg17 : memref<!tpu.dma_semaphore, #tpu.memory_space<semaphore_mem>>) src(%dma_wait3A_39 : memref<128x64xf32, #tpu.memory_space<hbm>>) dst(%arg13 : memref<128x64xf32, #tpu.memory_space<vmem>>)
      %dma_wait3A_40 = arith.constant 0 : i32
      %dma_wait3A_41 = arith.constant 0 : i32
      %dma_wait3A_42 = tpu.memref_slice %arg7[%dma_wait3A_40, %dma_wait3A_41] : memref<100001x64xf32, #tpu.memory_space<hbm>> -> memref<128x64xf32, #tpu.memory_space<hbm>>
      %dma_wait3A_43 = arith.constant 0 : i32
      %dma_wait3A_44 = arith.constant 0 : i32
      %dma_wait3A_45 = tpu.memref_slice %arg7[%dma_wait3A_43, %dma_wait3A_44] : memref<100001x64xf32, #tpu.memory_space<hbm>> -> memref<128x64xf32, #tpu.memory_space<hbm>>
      tpu.wait_dma2 semaphore(%arg17 : memref<!tpu.dma_semaphore, #tpu.memory_space<semaphore_mem>>) src(%dma_wait3A_45 : memref<128x64xf32, #tpu.memory_space<hbm>>) dst(%arg14 : memref<128x64xf32, #tpu.memory_space<vmem>>)
      %dma_wait3A_46 = arith.constant 0 : i32
      %dma_wait3A_47 = arith.constant 0 : i32
      %dma_wait3A_48 = tpu.memref_slice %arg8[%dma_wait3A_46, %dma_wait3A_47] : memref<1001x64xf32, #tpu.memory_space<hbm>> -> memref<128x64xf32, #tpu.memory_space<hbm>>
      %dma_wait3A_49 = arith.constant 0 : i32
      %dma_wait3A_50 = arith.constant 0 : i32
      %dma_wait3A_51 = tpu.memref_slice %arg8[%dma_wait3A_49, %dma_wait3A_50] : memref<1001x64xf32, #tpu.memory_space<hbm>> -> memref<128x64xf32, #tpu.memory_space<hbm>>
      tpu.wait_dma2 semaphore(%arg17 : memref<!tpu.dma_semaphore, #tpu.memory_space<semaphore_mem>>) src(%dma_wait3A_51 : memref<128x64xf32, #tpu.memory_space<hbm>>) dst(%arg15 : memref<128x64xf32, #tpu.memory_space<vmem>>)
      %dma_wait3A_52 = arith.constant 0 : i32
      %dma_wait3A_53 = tpu.memref_slice %arg5[%add3A_21, %dma_wait3A_52] : memref<16384x64xf32, #tpu.memory_space<hbm>> -> memref<128x64xf32, #tpu.memory_space<hbm>>
      %dma_wait3A_54 = arith.constant 0 : i32
      %dma_wait3A_55 = tpu.memref_slice %arg5[%add3A_21, %dma_wait3A_54] : memref<16384x64xf32, #tpu.memory_space<hbm>> -> memref<128x64xf32, #tpu.memory_space<hbm>>
      tpu.wait_dma2 semaphore(%arg18 : memref<!tpu.dma_semaphore, #tpu.memory_space<semaphore_mem>>) src(%dma_wait3A_55 : memref<128x64xf32, #tpu.memory_space<hbm>>) dst(%arg16 : memref<128x64xf32, #tpu.memory_space<vmem>>)
      %scan3A_56 = arith.constant 0 : i32
      %scan3A_57 = arith.constant 0 : i32
      %scan3A_58 = arith.constant 128 : i32
      %scan3A_59 = arith.addi %scan3A_57, %scan3A_58 : i32
      %scan3A_60 = arith.constant 1 : i32
      scf.for %scan3A_62 = %scan3A_57 to %scan3A_59 step %scan3A_60  : i32 {
        %get3A = arith.index_cast %scan3A_62 : i32 to index
        %get3A_63 = arith.constant 0 : index
        %get3A_64 = tpu.vector_load %arg13[%get3A, %get3A_63] {strides = array<i32>} : memref<128x64xf32, #tpu.memory_space<vmem>>, vector<1x16xf32>,
        %get3A_65 = vector.shape_cast %get3A_64 : vector<1x16xf32> to vector<16xf32>
        %get3A_66 = arith.index_cast %scan3A_62 : i32 to index
        %get3A_67 = arith.constant 0 : index
        %get3A_68 = tpu.vector_load %arg14[%get3A_66, %get3A_67] {strides = array<i32>} : memref<128x64xf32, #tpu.memory_space<vmem>>, vector<1x16xf32>,
        %get3A_69 = vector.shape_cast %get3A_68 : vector<1x16xf32> to vector<16xf32>
        %add3A_70 = arith.addf %get3A_65, %get3A_69 : vector<16xf32>
        %get3A_71 = arith.index_cast %scan3A_62 : i32 to index
        %get3A_72 = arith.constant 0 : index
        %get3A_73 = tpu.vector_load %arg15[%get3A_71, %get3A_72] {strides = array<i32>} : memref<128x64xf32, #tpu.memory_space<vmem>>, vector<1x16xf32>,
        %get3A_74 = vector.shape_cast %get3A_73 : vector<1x16xf32> to vector<16xf32>
        %add3A_75 = arith.addf %add3A_70, %get3A_74 : vector<16xf32>
        %mul3A_76 = arith.constant 5.000000e-01 : f32
        %mul3A_77 = vector.broadcast %mul3A_76 : f32 to vector<16xf32>
        %mul3A_78 = arith.mulf %add3A_75, %mul3A_77 : vector<16xf32>
        %get3A_79 = arith.index_cast %scan3A_62 : i32 to index
        %get3A_80 = arith.constant 0 : index
        %get3A_81 = tpu.vector_load %arg16[%get3A_79, %get3A_80] {strides = array<i32>} : memref<128x64xf32, #tpu.memory_space<vmem>>, vector<1x16xf32>,
        %get3A_82 = vector.shape_cast %get3A_81 : vector<1x16xf32> to vector<16xf32>
        %add3A_83 = arith.addf %mul3A_78, %get3A_82 : vector<16xf32>
        %swap3A = arith.index_cast %scan3A_62 : i32 to index
        %swap3A_84 = arith.constant 0 : index
        %swap3A_85 = tpu.vector_load %arg16[%swap3A, %swap3A_84] {strides = array<i32>} : memref<128x64xf32, #tpu.memory_space<vmem>>, vector<1x16xf32>,
        %swap3A_86 = vector.shape_cast %swap3A_85 : vector<1x16xf32> to vector<16xf32>
        %swap3A_87 = vector.shape_cast %add3A_83 : vector<16xf32> to vector<1x16xf32>
        tpu.vector_store %arg16[%swap3A, %swap3A_84], %swap3A_87 {strides = array<i32>} : memref<128x64xf32, #tpu.memory_space<vmem>>, vector<1x16xf32>,
        %get3A_88 = arith.index_cast %scan3A_62 : i32 to index
        %get3A_89 = arith.constant 16 : index
        %get3A_90 = tpu.vector_load %arg13[%get3A_88, %get3A_89] {strides = array<i32>} : memref<128x64xf32, #tpu.memory_space<vmem>>, vector<1x16xf32>,
        %get3A_91 = vector.shape_cast %get3A_90 : vector<1x16xf32> to vector<16xf32>
        %get3A_92 = arith.index_cast %scan3A_62 : i32 to index
        %get3A_93 = arith.constant 16 : index
        %get3A_94 = tpu.vector_load %arg14[%get3A_92, %get3A_93] {strides = array<i32>} : memref<128x64xf32, #tpu.memory_space<vmem>>, vector<1x16xf32>,
        %get3A_95 = vector.shape_cast %get3A_94 : vector<1x16xf32> to vector<16xf32>
        %add3A_96 = arith.addf %get3A_91, %get3A_95 : vector<16xf32>
        %get3A_97 = arith.index_cast %scan3A_62 : i32 to index
        %get3A_98 = arith.constant 16 : index
        %get3A_99 = tpu.vector_load %arg15[%get3A_97, %get3A_98] {strides = array<i32>} : memref<128x64xf32, #tpu.memory_space<vmem>>, vector<1x16xf32>,
        %get3A_100 = vector.shape_cast %get3A_99 : vector<1x16xf32> to vector<16xf32>
        %add3A_101 = arith.addf %add3A_96, %get3A_100 : vector<16xf32>
        %mul3A_102 = arith.constant 5.000000e-01 : f32
        %mul3A_103 = vector.broadcast %mul3A_102 : f32 to vector<16xf32>
        %mul3A_104 = arith.mulf %add3A_101, %mul3A_103 : vector<16xf32>
        %get3A_105 = arith.index_cast %scan3A_62 : i32 to index
        %get3A_106 = arith.constant 16 : index
        %get3A_107 = tpu.vector_load %arg16[%get3A_105, %get3A_106] {strides = array<i32>} : memref<128x64xf32, #tpu.memory_space<vmem>>, vector<1x16xf32>,
        %get3A_108 = vector.shape_cast %get3A_107 : vector<1x16xf32> to vector<16xf32>
        %add3A_109 = arith.addf %mul3A_104, %get3A_108 : vector<16xf32>
        %swap3A_110 = arith.index_cast %scan3A_62 : i32 to index
        %swap3A_111 = arith.constant 16 : index
        %swap3A_112 = tpu.vector_load %arg16[%swap3A_110, %swap3A_111] {strides = array<i32>} : memref<128x64xf32, #tpu.memory_space<vmem>>, vector<1x16xf32>,
        %swap3A_113 = vector.shape_cast %swap3A_112 : vector<1x16xf32> to vector<16xf32>
        %swap3A_114 = vector.shape_cast %add3A_109 : vector<16xf32> to vector<1x16xf32>
        tpu.vector_store %arg16[%swap3A_110, %swap3A_111], %swap3A_114 {strides = array<i32>} : memref<128x64xf32, #tpu.memory_space<vmem>>, vector<1x16xf32>,
        %get3A_115 = arith.index_cast %scan3A_62 : i32 to index
        %get3A_116 = arith.constant 32 : index
        %get3A_117 = tpu.vector_load %arg13[%get3A_115, %get3A_116] {strides = array<i32>} : memref<128x64xf32, #tpu.memory_space<vmem>>, vector<1x16xf32>,
        %get3A_118 = vector.shape_cast %get3A_117 : vector<1x16xf32> to vector<16xf32>
        %get3A_119 = arith.index_cast %scan3A_62 : i32 to index
        %get3A_120 = arith.constant 32 : index
        %get3A_121 = tpu.vector_load %arg14[%get3A_119, %get3A_120] {strides = array<i32>} : memref<128x64xf32, #tpu.memory_space<vmem>>, vector<1x16xf32>,
        %get3A_122 = vector.shape_cast %get3A_121 : vector<1x16xf32> to vector<16xf32>
        %add3A_123 = arith.addf %get3A_118, %get3A_122 : vector<16xf32>
        %get3A_124 = arith.index_cast %scan3A_62 : i32 to index
        %get3A_125 = arith.constant 32 : index
        %get3A_126 = tpu.vector_load %arg15[%get3A_124, %get3A_125] {strides = array<i32>} : memref<128x64xf32, #tpu.memory_space<vmem>>, vector<1x16xf32>,
        %get3A_127 = vector.shape_cast %get3A_126 : vector<1x16xf32> to vector<16xf32>
        %add3A_128 = arith.addf %add3A_123, %get3A_127 : vector<16xf32>
        %mul3A_129 = arith.constant 5.000000e-01 : f32
        %mul3A_130 = vector.broadcast %mul3A_129 : f32 to vector<16xf32>
        %mul3A_131 = arith.mulf %add3A_128, %mul3A_130 : vector<16xf32>
        %get3A_132 = arith.index_cast %scan3A_62 : i32 to index
        %get3A_133 = arith.constant 32 : index
        %get3A_134 = tpu.vector_load %arg16[%get3A_132, %get3A_133] {strides = array<i32>} : memref<128x64xf32, #tpu.memory_space<vmem>>, vector<1x16xf32>,
        %get3A_135 = vector.shape_cast %get3A_134 : vector<1x16xf32> to vector<16xf32>
        %add3A_136 = arith.addf %mul3A_131, %get3A_135 : vector<16xf32>
        %swap3A_137 = arith.index_cast %scan3A_62 : i32 to index
        %swap3A_138 = arith.constant 32 : index
        %swap3A_139 = tpu.vector_load %arg16[%swap3A_137, %swap3A_138] {strides = array<i32>} : memref<128x64xf32, #tpu.memory_space<vmem>>, vector<1x16xf32>,
        %swap3A_140 = vector.shape_cast %swap3A_139 : vector<1x16xf32> to vector<16xf32>
        %swap3A_141 = vector.shape_cast %add3A_136 : vector<16xf32> to vector<1x16xf32>
        tpu.vector_store %arg16[%swap3A_137, %swap3A_138], %swap3A_141 {strides = array<i32>} : memref<128x64xf32, #tpu.memory_space<vmem>>, vector<1x16xf32>,
        %get3A_142 = arith.index_cast %scan3A_62 : i32 to index
        %get3A_143 = arith.constant 48 : index
        %get3A_144 = tpu.vector_load %arg13[%get3A_142, %get3A_143] {strides = array<i32>} : memref<128x64xf32, #tpu.memory_space<vmem>>, vector<1x16xf32>,
        %get3A_145 = vector.shape_cast %get3A_144 : vector<1x16xf32> to vector<16xf32>
        %get3A_146 = arith.index_cast %scan3A_62 : i32 to index
        %get3A_147 = arith.constant 48 : index
        %get3A_148 = tpu.vector_load %arg14[%get3A_146, %get3A_147] {strides = array<i32>} : memref<128x64xf32, #tpu.memory_space<vmem>>, vector<1x16xf32>,
        %get3A_149 = vector.shape_cast %get3A_148 : vector<1x16xf32> to vector<16xf32>
        %add3A_150 = arith.addf %get3A_145, %get3A_149 : vector<16xf32>
        %get3A_151 = arith.index_cast %scan3A_62 : i32 to index
        %get3A_152 = arith.constant 48 : index
        %get3A_153 = tpu.vector_load %arg15[%get3A_151, %get3A_152] {strides = array<i32>} : memref<128x64xf32, #tpu.memory_space<vmem>>, vector<1x16xf32>,
        %get3A_154 = vector.shape_cast %get3A_153 : vector<1x16xf32> to vector<16xf32>
        %add3A_155 = arith.addf %add3A_150, %get3A_154 : vector<16xf32>
        %mul3A_156 = arith.constant 5.000000e-01 : f32
        %mul3A_157 = vector.broadcast %mul3A_156 : f32 to vector<16xf32>
        %mul3A_158 = arith.mulf %add3A_155, %mul3A_157 : vector<16xf32>
        %get3A_159 = arith.index_cast %scan3A_62 : i32 to index
        %get3A_160 = arith.constant 48 : index
        %get3A_161 = tpu.vector_load %arg16[%get3A_159, %get3A_160] {strides = array<i32>} : memref<128x64xf32, #tpu.memory_space<vmem>>, vector<1x16xf32>,
        %get3A_162 = vector.shape_cast %get3A_161 : vector<1x16xf32> to vector<16xf32>
        %add3A_163 = arith.addf %mul3A_158, %get3A_162 : vector<16xf32>
        %swap3A_164 = arith.index_cast %scan3A_62 : i32 to index
        %swap3A_165 = arith.constant 48 : index
        %swap3A_166 = tpu.vector_load %arg16[%swap3A_164, %swap3A_165] {strides = array<i32>} : memref<128x64xf32, #tpu.memory_space<vmem>>, vector<1x16xf32>,
        %swap3A_167 = vector.shape_cast %swap3A_166 : vector<1x16xf32> to vector<16xf32>
        %swap3A_168 = vector.shape_cast %add3A_163 : vector<16xf32> to vector<1x16xf32>
        tpu.vector_store %arg16[%swap3A_164, %swap3A_165], %swap3A_168 {strides = array<i32>} : memref<128x64xf32, #tpu.memory_space<vmem>>, vector<1x16xf32>,
      }
      %scan3A_61 = arith.constant 128 : i32
      "tpu.region"() ({
        %run_scoped3A = tpu.sem_alloc : memref<!tpu.dma_semaphore, #tpu.memory_space<semaphore_mem>>
        %dma_start3A_62 = arith.constant 0 : i32
        %dma_start3A_63 = tpu.memref_slice %arg9[%add3A_21, %dma_start3A_62] : memref<16384x64xf32, #tpu.memory_space<hbm>> -> memref<128x64xf32, #tpu.memory_space<hbm>>
        %dma_start3A_64 = arith.constant 0 : i32
        %dma_start3A_65 = tpu.memref_slice %arg9[%add3A_21, %dma_start3A_64] : memref<16384x64xf32, #tpu.memory_space<hbm>> -> memref<128x64xf32, #tpu.memory_space<hbm>>
        tpu.enqueue_dma source(%arg16 : memref<128x64xf32, #tpu.memory_space<vmem>>) target(%dma_start3A_65 : memref<128x64xf32, #tpu.memory_space<hbm>>) target_semaphore(%run_scoped3A : memref<!tpu.dma_semaphore, #tpu.memory_space<semaphore_mem>>)
        %dma_wait3A_66 = arith.constant 0 : i32
        %dma_wait3A_67 = tpu.memref_slice %arg9[%add3A_21, %dma_wait3A_66] : memref<16384x64xf32, #tpu.memory_space<hbm>> -> memref<128x64xf32, #tpu.memory_space<hbm>>
        %dma_wait3A_68 = arith.constant 0 : i32
        %dma_wait3A_69 = tpu.memref_slice %arg9[%add3A_21, %dma_wait3A_68] : memref<16384x64xf32, #tpu.memory_space<hbm>> -> memref<128x64xf32, #tpu.memory_space<hbm>>
        tpu.wait_dma2 semaphore(%run_scoped3A : memref<!tpu.dma_semaphore, #tpu.memory_space<semaphore_mem>>) src(%arg16 : memref<128x64xf32, #tpu.memory_space<vmem>>) dst(%dma_wait3A_69 : memref<128x64xf32, #tpu.memory_space<hbm>>)
        tpu.yield
      }) : () -> ()
    }
    %scan3A_17 = arith.constant 4 : i32
    return
  }
}

module attributes {stable_mosaic.version = 14 : i64} {
  func.func @_adj_body(%arg0: memref<16x16384xf32, #tpu.memory_space<vmem>>, %arg1: memref<16x64xf32, #tpu.memory_space<vmem>>, %arg2: memref<16384x64xf32, #tpu.memory_space<vmem>>) attributes {dimension_semantics = [], scalar_prefetch = 0 : i64, scratch_operands = 0 : i64, tpu.core_type = #tpu.core_type<tc>} {
    %get3A = arith.constant 0 : index
    %get3A_0 = arith.constant 0 : index
    %get3A_1 = vector.load %arg0[%get3A, %get3A_0] : memref<16x16384xf32, #tpu.memory_space<vmem>>, vector<16x16384xf32>
    %get3A_2 = arith.constant 0 : index
    %get3A_3 = arith.constant 0 : index
    %get3A_4 = vector.load %arg1[%get3A_2, %get3A_3] : memref<16x64xf32, #tpu.memory_space<vmem>>, vector<16x64xf32>
    %dot_general3A = arith.constant dense<0.000000e+00> : vector<16384x64xf32>
    %dot_general3A_5 = tpu.matmul %get3A_1, %get3A_4, %dot_general3A {dimension_numbers = #tpu.dot_dimension_numbers<[0], [0], [1], [1], [0, 1, 1, 1], [], []>, transpose_lhs_hint = false} : vector<16x16384xf32>, vector<16x64xf32>, vector<16384x64xf32> -> vector<16384x64xf32>
    %mul3A = arith.constant 5.000000e-01 : f32
    %mul3A_6 = vector.broadcast %mul3A : f32 to vector<16384x64xf32>
    %mul3A_7 = arith.mulf %dot_general3A_5, %mul3A_6 : vector<16384x64xf32>
    %swap3A = arith.constant 0 : index
    %swap3A_8 = arith.constant 0 : index
    %swap3A_9 = vector.load %arg2[%swap3A, %swap3A_8] : memref<16384x64xf32, #tpu.memory_space<vmem>>, vector<16384x64xf32>
    tpu.vector_store %arg2[%swap3A, %swap3A_8], %mul3A_7 {strides = array<i32>} : memref<16384x64xf32, #tpu.memory_space<vmem>>, vector<16384x64xf32>,
    return
  }
}

</mosaic_0001>

<sc_bundles>
// kernel: kernel.4.cloned.1.call-start
scs
__scs_entry_jumppad:
0x0: {  	(pc) =	sbr.rel $0x88, $3  }
0x1: {  	(tag) =	ssettag $0x0;
	lr =	simm.s32 $0x1  }
0x2: {  	[smem:$0x3F99] =	sst lr;
	_ =	strace $0xD0000000  }
0x3: {  	_ = 	snop  }
0x4: {  	_ = 	snop  }
0x5: {  	_ = 	snop  }
0x6: {  	_ = 	snop  }
0x7: {  	_ = 	snop  }
__scs_overlays_trampoline_lowered:
0x8: {  	[smem:$0x3FA8] =	sst s0  }
0x9: {  	[smem:$0x3FA9] =	sst s1  }
0xa: {  	[smem:$0x3FAA] =	sst s2  }
0xb: {  	[smem:$0x3FAB] =	sst s3  }
0xc: {  	[smem:$0x3FAC] =	sst s4  }
0xd: {  	[smem:$0x3FAD] =	sst s5  }
0xe: {  	[smem:$0x3FAE] =	sst s6  }
0xf: {  	[smem:$0x3FAF] =	sst s7  }
0x10: {  	[smem:$0x3FB0] =	sst s8  }
0x11: {  	[smem:$0x3FB1] =	sst s9;
	s0 =	simm.s32 @!p0 $0x0  }
0x12: {  	s1 =	sld [smem:$0x3F97];
	s0 =	simm.s32 @p0 $0x1  }
0x13: {  	[smem:$0x3FB2] =	sst s0;
	s0 =	simm.s32 @!p1 $0x0  }
0x14: {  	s2 =	sld [smem:$0x3F96];
	s0 =	simm.s32 @p1 $0x1  }
0x15: {  	[smem:$0x3FB3] =	sst s0;
	s0 =	simm.s32 @!p2 $0x0  }
0x16: {  	s3 =	sld [smem:$0x3FDB];
	s0 =	simm.s32 @p2 $0x1  }
0x17: {  	s4 =	simm.s32 $0x1BF5;
	[smem:$0x3FB5] =	sst s0  }
0x18: {  	s0 =	sld [smem:$0x3F98];
	_ =	swait.ge [sflag:s4], $0x0  }
0x19: {  	s7 =	sld [smem:$0x3F99]  }
0x1a: {  	s8 =	sadd.s32 $0xFFFFE003, lr  }
0x1b: {  	s9 =	sadd.s32 $0xFFFFFEF7, lr;
	s5 =	simm.s32 $0xFFFFFFFF;
	p2 =	slt.u32 s8, $0xFFFFF086  }
0x1c: {  	p1 =	slt.u32 s9, $0xF7A;
	s5 =	simm.s32 @!p2 $0x0  }
0x1d: {  	s5 =	simm.s32 @p1 $0x1;
	p0 =	seq.s32 s7, s2  }
0x1e: {  	s7 =	smul.u32 @!p0 $0xF7A, s2;
	p2 =	seq.s32 @!p0 s5, $0x0  }
0x1f: {  	s9 =	smul.u32 $0xF7A, s1;
	s8 =	simm.s32 @!p0 $0x1BF5;
	p2 =	por !p2, p0  }
0x20: {  	[sflag:s8] =	ssyncset.s32 @!p0 $0xFFFFF086;
	s6 =	sadd.s32 @!p0 s3, s7;
	s7 =	simm.s32 @!p0 $0x108  }
0x21: {  	s3 =	sadd.s32 s3, s9;
	s6 =	sadd.s32 @!p0 $0x88, s6;
	s7 =	simm.s32 @p2 $0x1082  }
0x22: {  	[simem:s7], [sflag:s8] =	dma.local @!p0 [hbm:s6], $0xF7A  }
0x23: {  	s9 =	sor.u32 $0xD0000000, s2;
	s6 =	simm.s32 $0x108;
	_ =	swait.ge @!p0 [sflag:s8], $0x0  }
0x24: {  	s3 =	sadd.s32 $0x88, s3;
	s6 =	simm.s32 @!p1 $0x1082;
	[sflag:s4] =	ssyncset.s32 $0xFFFFF086  }
0x25: {  	[simem:s6], [sflag:s4] =	dma.local [hbm:s3], $0xF7A  }
0x26: {  	[smem:$0x3F99] =	sst s1;
	(tag) =	ssettag s2;
	_ =	strace s9  }
0x27: {  	s1 =	sld [smem:$0x3FA9]  }
0x28: {  	s2 =	sld [smem:$0x3FAA]  }
0x29: {  	s4 =	sld [smem:$0x3FAC]  }
0x2a: {  	p0 =	seq.s32 s5, $0x0;
	s5 =	sld [smem:$0x3FAD]  }
0x2b: {  	s6 =	sld [smem:$0x3FAE]  }
0x2c: {  	s7 =	sld [smem:$0x3FAF]  }
0x2d: {  	s3 =	simm.s32 $0x108;
	s8 =	sld [smem:$0x3FB0]  }
0x2e: {  	s3 =	simm.s32 @!p0 $0x1082;
	s9 =	sld [smem:$0x3FB1]  }
0x2f: {  	lr =	sadd.s32 s0, s3;
	s0 =	sld [smem:$0x3FA8]  }
0x30: {  	s3 =	sld [smem:$0x3FAB]  }
0x31: {  	[smem:$0x3FB4] =	sst s10  }
0x32: {  	s10 =	sld [smem:$0x3FB2];
	_ =	sdelay $0x3  }
0x33: {  	p0 =	seq.s32 s10, $0x1;
	s10 =	sld [smem:$0x3FB4];
	_ =	sdelay $0x3  }
0x34: {  	[smem:$0x3FB4] =	sst s10  }
0x35: {  	s10 =	sld [smem:$0x3FB3];
	_ =	sdelay $0x3  }
0x36: {  	p1 =	seq.s32 s10, $0x1;
	s10 =	sld [smem:$0x3FB4];
	_ =	sdelay $0x3  }
0x37: {  	[smem:$0x3FB4] =	sst s10  }
0x38: {  	s10 =	sld [smem:$0x3FB5]  }
0x39: {  	_ = 	snop;
	(pc) =	sbr.ind lr, $3  }
0x3a: {  	_ = 	snop  }
0x3b: {  	_ = 	snop  }
0x3c: {  	p2 =	seq.s32 s10, $0x1;
	s10 =	sld [smem:$0x3FB4]  }
0x3d: {  	_ =	shalt  }
0x3e: {  	_ =	shalt  }
0x3f: {  	_ =	shalt  }
0x40: {  	_ =	shalt  }
0x41: {  	_ =	shalt  }
0x42: {  	_ =	shalt  }
0x43: {  	_ =	shalt  }
0x44: {  	_ =	shalt  }
0x45: {  	_ =	shalt  }
0x46: {  	_ =	shalt  }
0x47: {  	_ =	shalt  }
0x48: {  	_ =	shalt  }
0x49: {  	_ =	shalt  }
0x4a: {  	_ =	shalt  }
0x4b: {  	_ =	shalt  }
0x4c: {  	_ =	shalt  }
0x4d: {  	_ =	shalt  }
0x4e: {  	_ =	shalt  }
0x4f: {  	_ =	shalt  }
0x50: {  	_ =	shalt  }
0x51: {  	_ =	shalt  }
0x52: {  	_ =	shalt  }
0x53: {  	_ =	shalt  }
0x54: {  	_ =	shalt  }
0x55: {  	_ =	shalt  }
0x56: {  	_ =	shalt  }
0x57: {  	_ =	shalt  }
0x58: {  	_ =	shalt  }
0x59: {  	_ =	shalt  }
0x5a: {  	_ =	shalt  }
0x5b: {  	_ =	shalt  }
0x5c: {  	_ =	shalt  }
0x5d: {  	_ =	shalt  }
0x5e: {  	_ =	shalt  }
0x5f: {  	_ =	shalt  }
0x60: {  	_ =	shalt  }
0x61: {  	_ =	shalt  }
0x62: {  	_ =	shalt  }
0x63: {  	_ =	shalt  }
0x64: {  	_ =	shalt  }
0x65: {  	_ =	shalt  }
0x66: {  	_ =	shalt  }
0x67: {  	_ =	shalt  }
0x68: {  	_ =	shalt  }
0x69: {  	_ =	shalt  }
0x6a: {  	_ =	shalt  }
0x6b: {  	_ =	shalt  }
0x6c: {  	_ =	shalt  }
0x6d: {  	_ =	shalt  }
0x6e: {  	_ =	shalt  }
0x6f: {  	_ =	shalt  }
0x70: {  	_ =	shalt  }
0x71: {  	_ =	shalt  }
0x72: {  	_ =	shalt  }
0x73: {  	_ =	shalt  }
0x74: {  	_ =	shalt  }
0x75: {  	_ =	shalt  }
0x76: {  	_ =	shalt  }
0x77: {  	_ =	shalt  }
0x78: {  	_ =	shalt  }
0x79: {  	_ =	shalt  }
0x7a: {  	_ =	shalt  }
0x7b: {  	_ =	shalt  }
0x7c: {  	_ =	shalt  }
0x7d: {  	_ =	shalt  }
0x7e: {  	_ =	shalt  }
0x7f: {  	_ =	shalt  }
0x80: {  	_ =	shalt  }
0x81: {  	_ =	shalt  }
0x82: {  	_ =	shalt  }
0x83: {  	_ =	shalt  }
0x84: {  	_ =	shalt  }
0x85: {  	_ =	shalt  }
0x86: {  	_ =	shalt  }
0x87: {  	_ =	shalt  }
.Lfunc_end0:
.L_simem_size_0:
called_computation_lowered:
.L_overlay_start_0:
0x88: {  	s2 =	sld [smem:$0x3FD9]  }
0x89: {  	s3 =	sld [smem:$0x3FFE];
	_ =	sdelay $0x1  }
0x8a: {  	s1 =	srdreg.scid  }
0x8b: {  	s0 =	sand.u32 $0x1, s1  }
0x8c: {  	s17 =	sshll.u32 s0, $0xA;
	s2 =	sadd.s32 s3, s2  }
0x8d: {  	s2 =	sadd.s32 s2, s17  }
0x8e: {  	[smem:$0x3FC0] =	sst s2  }
0x8f: {  	_ = 	snop  }
0x90: {  	s2 =	sld [smem:$0x3FC9]  }
0x91: {  	s18 =	sld [smem:$0x3FC8]  }
0x92: {  	s4 =	sld [smem:$0x3FC7]  }
0x93: {  	s5 =	sld [smem:$0x3FD0];
	(tm) =	ssettm $0x1  }
0x94: {  	s6 =	sld [smem:$0x3FFB];
	_ =	sdelay $0x3  }
0x95: {  	_ =	strace s6  }
0x96: {  	s6 =	sld [smem:$0x3FFC];
	_ =	sdelay $0x3  }
0x97: {  	_ =	strace s6  }
0x98: {  	s6 =	sld [smem:$0x3FFD];
	_ =	sdelay $0x3  }
0x99: {  	_ =	strace s6  }
0x9a: {  	_ =	strace $0x8FFFFFFF  }
0x9b: {  	s19 =	sld [smem:$0x3FDB];
	_ =	sdelay $0x1  }
0x9c: {  	s7 =	simm.s32 $_scs_section_size  }
0x9d: {  	s8 =	simm.s32 $_size__tile_overlayer_lowered;
	s9 =	simm.s32 $_tile_overlayer_lowered  }
0x9e: {  	s22 =	simm.s32 $0x1BFF;
	s21 =	sshll.u32 s9, $0x1;
	s6 =	sadd.s32 s7, s19  }
0x9f: {  	s10 =	simm.s32 $0x0;
	s20 =	sshll.u32 s8, $0x1;
	s8 =	sadd.s32 s21, s6  }
0xa0: {  	[timem:s10], [sflag:s22] =	dma.local [hbm:s8], s20  }
0xa1: {  	_ =	swait.ge [sflag:s22], s20  }
0xa2: {  	s7 =	ssub.s32 $0x0, s20;
	[sflag:s22] =	ssyncset.done $0x0  }
0xa3: {  	[sflag:s22] =	ssyncadd.s32 s7;
	_ =	sdelay $0x1  }
0xa4: {  	s23 =	simm.s32 $0x1B8B  }
0xa5: {  	_ =	swait.ge [sflag:s23], $0x1  }
0xa6: {  	[sflag:s23] =	ssyncset.done $0x0  }
0xa7: {  	s25 =	simm.s32 $0x1B8E;
	s24 =	sld [smem:$0x3FFE];
	[sflag:s23] =	ssyncadd.s32 $0xFFFFFFFF  }
0xa8: {  	s26 =	simm.s32 $execute0_lowered;
	[smem:$0x3FD2] =	sst s25  }
0xa9: {  	s8 =	sshll.u32 s26, $0x1;
	_ =	strace $0x80000046;
	[dreg:$0x1] =	wrdreg $0xFFFFFFFF  }
0xaa: {  	s28 =	simm.s32 $_size_execute0_lowered;
	s6 =	sadd.s32 s6, s8;
	[dreg:$0x0] =	wrdreg $0x0  }
0xab: {  	s8 =	sshll.u32 s28, $0x1;
	[dreg:$0x2] =	wrdreg s6  }
0xac: {  	[dreg:$0x3] =	wrdreg s8  }
0xad: {  	[dreg:$0x4] =	wrdreg $0xC0  }
0xae: {  	_ =	task [dreg:s10], $0x5FFFF  }
0xaf: {  	[dreg:$0x1] =	wrdreg $0xFFFFFFFF  }
0xb0: {  	[dreg:$0x0] =	wrdreg $0x60  }
0xb1: {  	[dreg:$0x2] =	wrdreg s2  }
0xb2: {  	[dreg:$0x3] =	wrdreg s18  }
0xb3: {  	[dreg:$0x4] =	wrdreg s4  }
0xb4: {  	[dreg:$0x5] =	wrdreg s24  }
0xb5: {  	[dreg:$0x6] =	wrdreg s5  }
0xb6: {  	[dreg:$0x7] =	wrdreg $0x9  }
0xb7: {  	_ =	task.clear_ibuf [dreg:s10], $0x8FFFF;
	_ =	strace $0x90000046  }
0xb8: {  	s29 =	simm.s32 $0x9;
	_ =	strace $0x80000048  }
0xb9: {  	_ =	swait.ge [sflag:s29], $0x1  }
0xba: {  	[sflag:s29] =	ssyncadd.s32 $0xFFFFFFFF  }
0xbb: {  	_ =	strace $0x90000048  }
0xbc: {  	_ =	sfence  }
0xbd: {  	s30 =	sld [smem:$0x0];
	_ =	sdelay $0x2  }
0xbe: {  	s31 =	sshll.u32 s1, $0xD;
	s1 =	sshrl.u32 s1, $0x2  }
0xbf: {  	s3 =	sand.u32 $0x4000, s31;
	s1 =	sadd.s32 s1, s30  }
0xc0: {  	s0 =	sor.u32 s3, s0;
	s1 =	sshll.u32 s1, $0x11  }
0xc1: {  	s0 =	sor.u32 s1, s0  }
0xc2: {  	s0 =	sadd.s32 $0x8F2B, s0  }
0xc3: {  	[sflag:s0] =	ssyncadd.remote.s32 $0x1  }
0xc4: {  	_ =	sfence.sel $0xFFFF  }
0xc5: {  	[dreg:$0x0] =	wrdreg $0xFFFFFFFF;
	(pc) =	sbr.abs _section_cstart, $3  }
0xc6: {  	[dreg:$0x1] =	wrdreg $0xFFFFFFFF  }
0xc7: {  	_ =	task.clear_ibuf [dreg:s10], $0x2FFFF;
	_ =	strace $0x9FFFFFFF  }
0xc8: {  	(tm) =	ssettm $0x7FFFFFFF  }
0xc9: {  	_ =	shalt  }
tec
execute0_lowered:
.L_overlay_start_1:
0x0: {  	(tag) =	ssettag $0x1  }
0x1: {  	s0 =	rddreg [dreg:$0x0]  }
0x2: {  	s1 =	rddreg [dreg:$0x1]  }
0x3: {  	s3 =	rddreg [dreg:$0x2]  }
0x4: {  	s4 =	rddreg [dreg:$0x3]  }
0x5: {  	s28 =	rddreg [dreg:$0x4];
	s2 =	simm.s32 $0x0;
	s5 =	srdreg.scid  }
0x6: {  	s24 =	stileid.u32;
	[smem:$0x7FF] =	sst s2;
	s6 =	sadd.s32 $0x10CA200, s4  }
0x7: {  	s7 =	sand.u32 $0x1, s5;
	s5 =	sadd.s32 $0x1000, s4;
	s8 =	sshll.u32 s24, $0xA  }
0x8: {  	_ =	strace $0x80000047;
	[smem:$0x7F7] =	sst s6;
	s9 =	sshll.u32 s7, $0x9  }
0x9: {  	s6 =	sadd.s32 $0xF43600, s4;
	s4 =	sadd.s32 $0x110A200, s4;
	s8 =	sor.u32 s9, s8  }
0xa: {  	[smem:$0x7F8] =	sst s4;
	s9 =	sshrl.u32 s8, $0x3;
	s31 =	sshll.u32 s8, $0x4  }
0xb: {  	s7 =	ssub.s32 $0x2, s7;
	s0 =	sadd.s32 s0, s9;
	[smem:$0x7FD] =	sst s31  }
0xc: {  	s25 =	sshrl.u32 s7, $0x1;
	s26 =	sadd.s32 s1, s9;
	[smem:$0x7F9] =	sst s0  }
0xd: {  	s4 =	ssub.s32 s7, s25;
	s29 =	sadd.s32 s3, s9;
	[smem:$0x7FA] =	sst s26  }
0xe: {  	s30 =	smax.u32 s4, $0x1;
	[smem:$0x7FB] =	sst s29  }
0xf: {  	s3 =	simm.s32 $0xC600;
	s1 =	simm.s32 $0x0;
	[smem:$0x7FC] =	sst s30  }
.LBB2_1:
0x10: {  	s0 =	sld [smem:$0x7F9];
	_ =	sdelay $0x1  }
0x11: {  	s29 =	sld [smem:$0x7FA]  }
0x12: {  	[tilespmem:s2], [sflag:$0x3] =	stream.linear.gather [hbm4b:s0+s2], $0x200, $0x38;
	[tilespmem:$0x10600] =	vst v63  }
0x13: {  	s4 =	simm.s32 $0x200;
	s30 =	sld [smem:$0x7FB]  }
0x14: {  	[tilespmem:s4], [sflag:$0x3] =	stream.linear.gather [hbm4b:s29+s2], $0x200, $0x38;
	[tilespmem:$0x10600] =	vst v63  }
0x15: {  	[smem:$0x7F6] =	sst s1;
	s15 =	simm.s32 $0x400;
	s31 =	simm.s32 $0x3  }
0x16: {  	[tilespmem:s15], [sflag:$0x3] =	stream.linear.gather [hbm4b:s30+s2], $0x200, $0x38;
	[tilespmem:$0x10600] =	vst v63  }
0x17: {  	_ =	swait.ge [sflag:s31], $0x200  }
0x18: {  	[sflag:s31] =	ssyncset.done $0x0  }
0x19: {  	[sflag:s31] =	ssyncadd.s32 $0xFFFFFE00  }
0x1a: {  	_ =	swait.ge [sflag:s31], $0x200  }
0x1b: {  	[sflag:s31] =	ssyncset.done $0x0  }
0x1c: {  	[sflag:s31] =	ssyncadd.s32 $0xFFFFFE00  }
0x1d: {  	_ =	swait.ge [sflag:s31], $0x200  }
0x1e: {  	[sflag:s31] =	ssyncset.done $0x0  }
0x1f: {  	s7 =	simm.s32 $0x0;
	s1 =	simm.s32 $0x0;
	[sflag:s31] =	ssyncadd.s32 $0xFFFFFE00  }
.LBB2_2:
0x20: {  	s25 =	sld [smem:$0x7FD]  }
0x21: {  	s26 =	sld [smem:$0x7F7]  }
0x22: {  	s0 =	sshll.u32 s1, $0xB  }
0x23: {  	[smem:$0x7F1] =	sst s1;
	s1 =	sor.u32 s25, s0  }
0x24: {  	s30 =	simm.s32 $0x0;
	s0 =	sadd.s32 s26, s1  }
0x25: {  	[tilespmem:s3], [sflag:$0x2] =	stream.linear.gather [hbm4b:s0+s30], $0x4000, $0x38;
	[tilespmem:$0x10600] =	vst v63  }
0x26: {  	v0 =	vld [tilespmem:s7+$0x0]  }
0x27: {  	v1 =	vld [tilespmem:s4+$0x0]  }
0x28: {  	v3 =	vld [tilespmem:s15+$0x0];
	_ =	sdelay $0x2  }
0x29: {  	v2 =	vshll.u32 v0, $0x4  }
0x2a: {  	v1 =	vshll.u32 v1, $0x4;
	(v2sf) =	vpush v2, $0x0  }
0x2b: {  	v63 =	vshll.u32 v3, $0x4;
	(v2sf) =	vpush v1, $0x0  }
0x2c: {  	(v2sf) =	vpush v63, $0x0;
	_ =	sdelay $0x1  }
0x2d: {  	(v2sf) =	vpush v2, $0x1;
	_ =	sdelay $0x2  }
0x2e: {  	(v2sf) =	vpush v1, $0x1;
	_ =	sdelay $0x1  }
0x2f: {  	s19 =	simm.s32 $0x2000;
	[smem:$0x7F3] =	sst s4;
	(v2sf) =	vpush v63, $0x1  }
0x30: {  	s24 =	simm.s32 $0x0;
	s16 =	sadd.s32 $0x10, s4;
	[smem:$0x7F4] =	sst s7  }
0x31: {  	s17 =	sadd.s32 $0x10, s7;
	s31 =	simm.s32 $0x8600;
	s14 =	simm.s32 $0x600;
	(v2sf) =	vpush v2, $0x2  }
0x32: {  	s8 =	simm.s32 $0x4600;
	s10 =	simm.s32 $0x8680;
	s11 =	simm.s32 $0x780  }
0x33: {  	s22 =	simm.s32 $0x680;
	s29 =	simm.s32 $0x4D80;
	[smem:$0x7F5] =	sst s15  }
0x34: {  	s25 =	simm.s32 $0x4680;
	[smem:$0x7F2] =	sst s1;
	s1 =	simm.s32 $0x980  }
0x35: {  	s0 =	simm.s32 $0xA00;
	s3 =	simm.s32 $0xA80;
	s9 =	spop (v2sf);
	(v2sf) =	vpush v1, $0x2  }
0x36: {  	s4 =	simm.s32 $0x4780;
	s9 =	sand.u32 $0x1FFFFFF0, s9;
	s12 =	spop (v2sf)  }
0x37: {  	s7 =	simm.s32 $0x8A80;
	(v2sf) =	vpush v63, $0x2;
	s9 =	sadd.s32 s5, s9;
	s20 =	spop (v2sf)  }
0x38: {  	[tilespmem:s14], [sflag:$0x1] =	stream.linear.gather [hbm4b:s9+s2], $0x80, $0x38;
	[tilespmem:$0x10600] =	vst v63  }
0x39: {  	s18 =	sand.u32 $0x1FFFFFF0, s12;
	s12 =	sand.u32 $0x1FFFFFF0, s20;
	s13 =	spop (v2sf)  }
0x3a: {  	(v2sf) =	vpush v2, $0x3;
	s9 =	sadd.s32 s6, s18;
	s14 =	simm.s32 $0x700;
	s20 =	simm.s32 $0x4700  }
0x3b: {  	(v2sf) =	vpush v1, $0x3;
	[tilespmem:s8], [sflag:$0x1] =	stream.linear.gather [hbm4b:s9+s2], $0x80, $0x38;
	[tilespmem:$0x10600] =	vst v63  }
0x3c: {  	s21 =	sand.u32 $0x1FFFFFF0, s13;
	s12 =	sadd.s32 s28, s12;
	s23 =	spop (v2sf)  }
0x3d: {  	(v2sf) =	vpush v63, $0x3;
	[tilespmem:s31], [sflag:$0x1] =	stream.linear.gather [hbm4b:s12+s2], $0x80, $0x38;
	[tilespmem:$0x10600] =	vst v63  }
0x3e: {  	s9 =	sadd.s32 s5, s21;
	s26 =	sand.u32 $0x1FFFFFF0, s23;
	s30 =	spop (v2sf)  }
0x3f: {  	(v2sf) =	vpush v2, $0x4;
	[tilespmem:s22], [sflag:$0x1] =	stream.linear.gather [hbm4b:s9+s2], $0x80, $0x38;
	[tilespmem:$0x10600] =	vst v63  }
0x40: {  	s12 =	sand.u32 $0x1FFFFFF0, s30;
	s31 =	spop (v2sf);
	s9 =	sadd.s32 s6, s26  }
0x41: {  	(v2sf) =	vpush v1, $0x4;
	[tilespmem:s25], [sflag:$0x1] =	stream.linear.gather [hbm4b:s9+s2], $0x80, $0x38;
	[tilespmem:$0x10600] =	vst v63  }
0x42: {  	s8 =	simm.s32 $0x8780;
	s12 =	sadd.s32 s28, s12;
	s13 =	sand.u32 $0x1FFFFFF0, s31  }
0x43: {  	[tilespmem:s10], [sflag:$0x1] =	stream.linear.gather [hbm4b:s12+s2], $0x80, $0x38;
	[tilespmem:$0x10600] =	vst v63  }
0x44: {  	s23 =	simm.s32 $0x8700;
	s12 =	sadd.s32 s5, s13;
	s18 =	spop (v2sf)  }
0x45: {  	[tilespmem:s14], [sflag:$0x1] =	stream.linear.gather [hbm4b:s12+s2], $0x80, $0x38;
	[tilespmem:$0x10600] =	vst v63  }
0x46: {  	s31 =	simm.s32 $0x4800;
	s10 =	sand.u32 $0x1FFFFFF0, s18;
	s21 =	spop (v2sf)  }
0x47: {  	s9 =	simm.s32 $0x4880;
	(v2sf) =	vpush v63, $0x4;
	s10 =	sadd.s32 s6, s10;
	s12 =	sand.u32 $0x1FFFFFF0, s21  }
0x48: {  	(v2sf) =	vpush v2, $0x5;
	[tilespmem:s20], [sflag:$0x1] =	stream.linear.gather [hbm4b:s10+s2], $0x80, $0x38;
	[tilespmem:$0x10600] =	vst v63  }
0x49: {  	s18 =	simm.s32 $0x8800;
	s22 =	spop (v2sf);
	(v2sf) =	vpush v1, $0x5;
	s25 =	sadd.s32 s28, s12  }
0x4a: {  	s26 =	sand.u32 $0x1FFFFFF0, s22;
	s30 =	spop (v2sf);
	s22 =	simm.s32 $0x800  }
0x4b: {  	(v2sf) =	vpush v63, $0x5;
	[tilespmem:s23], [sflag:$0x1] =	stream.linear.gather [hbm4b:s25+s2], $0x80, $0x38;
	[tilespmem:$0x10600] =	vst v63  }
0x4c: {  	s12 =	sadd.s32 s5, s26;
	s10 =	sand.u32 $0x1FFFFFF0, s30;
	s13 =	spop (v2sf)  }
0x4d: {  	(v2sf) =	vpush v2, $0x6;
	[tilespmem:s11], [sflag:$0x1] =	stream.linear.gather [hbm4b:s12+s2], $0x80, $0x38;
	[tilespmem:$0x10600] =	vst v63  }
0x4e: {  	s10 =	sadd.s32 s6, s10;
	s14 =	spop (v2sf);
	(v2sf) =	vpush v1, $0x6;
	s12 =	sand.u32 $0x1FFFFFF0, s13  }
0x4f: {  	[tilespmem:s4], [sflag:$0x1] =	stream.linear.gather [hbm4b:s10+s2], $0x80, $0x38;
	[tilespmem:$0x10600] =	vst v63  }
0x50: {  	s21 =	sand.u32 $0x1FFFFFF0, s14;
	s23 =	spop (v2sf);
	(v2sf) =	vpush v63, $0x6;
	s20 =	sadd.s32 s28, s12  }
0x51: {  	[tilespmem:s8], [sflag:$0x1] =	stream.linear.gather [hbm4b:s20+s2], $0x80, $0x38;
	[tilespmem:$0x10600] =	vst v63  }
0x52: {  	(v2sf) =	vpush v2, $0x7;
	s13 =	simm.s32 $0x880;
	s12 =	sadd.s32 s5, s21;
	s10 =	sand.u32 $0x1FFFFFF0, s23  }
0x53: {  	[tilespmem:s22], [sflag:$0x1] =	stream.linear.gather [hbm4b:s12+s2], $0x80, $0x38;
	[tilespmem:$0x10600] =	vst v63  }
0x54: {  	s21 =	simm.s32 $0x8880;
	s4 =	simm.s32 $0x4B00;
	s10 =	sadd.s32 s6, s10  }
0x55: {  	[tilespmem:s31], [sflag:$0x1] =	stream.linear.gather [hbm4b:s10+s2], $0x80, $0x38;
	[tilespmem:$0x10600] =	vst v63  }
0x56: {  	s8 =	simm.s32 $0xB00;
	s25 =	spop (v2sf);
	s10 =	simm.s32 $0x4900  }
0x57: {  	s12 =	sand.u32 $0x1FFFFFF0, s25;
	s26 =	spop (v2sf);
	s25 =	simm.s32 $0x900  }
0x58: {  	(v2sf) =	vpush v1, $0x7;
	s30 =	sadd.s32 s28, s12;
	s31 =	sand.u32 $0x1FFFFFF0, s26;
	s14 =	spop (v2sf)  }
0x59: {  	(v2sf) =	vpush v63, $0x7;
	[tilespmem:s18], [sflag:$0x1] =	stream.linear.gather [hbm4b:s30+s2], $0x80, $0x38;
	[tilespmem:$0x10600] =	vst v63  }
0x5a: {  	s12 =	sadd.s32 s5, s31;
	s11 =	sand.u32 $0x1FFFFFF0, s14;
	s18 =	spop (v2sf)  }
0x5b: {  	(v2sf) =	vpush v2, $0x8;
	[tilespmem:s13], [sflag:$0x1] =	stream.linear.gather [hbm4b:s12+s2], $0x80, $0x38;
	[tilespmem:$0x10600] =	vst v63  }
0x5c: {  	s11 =	sadd.s32 s6, s11;
	s20 =	spop (v2sf);
	s12 =	sand.u32 $0x1FFFFFF0, s18  }
0x5d: {  	(v2sf) =	vpush v1, $0x8;
	s23 =	sand.u32 $0x1FFFFFF0, s20;
	s26 =	spop (v2sf);
	s22 =	sadd.s32 s28, s12  }
0x5e: {  	(v2sf) =	vpush v63, $0x8;
	[tilespmem:s9], [sflag:$0x1] =	stream.linear.gather [hbm4b:s11+s2], $0x80, $0x38;
	[tilespmem:$0x10600] =	vst v63  }
0x5f: {  	s12 =	sadd.s32 s5, s23;
	s30 =	spop (v2sf);
	s11 =	sand.u32 $0x1FFFFFF0, s26  }
0x60: {  	[tilespmem:s21], [sflag:$0x1] =	stream.linear.gather [hbm4b:s22+s2], $0x80, $0x38;
	[tilespmem:$0x10600] =	vst v63  }
0x61: {  	s9 =	simm.s32 $0x4A80;
	s31 =	spop (v2sf);
	s11 =	sadd.s32 s6, s11  }
0x62: {  	(v2sf) =	vpush v2, $0x9;
	[tilespmem:s25], [sflag:$0x1] =	stream.linear.gather [hbm4b:s12+s2], $0x80, $0x38;
	[tilespmem:$0x10600] =	vst v63  }
0x63: {  	s18 =	sand.u32 $0x1FFFFFF0, s31;
	s31 =	simm.s32 $0x8A00;
	s12 =	sand.u32 $0x1FFFFFF0, s30  }
0x64: {  	(v2sf) =	vpush v1, $0x9;
	[tilespmem:s10], [sflag:$0x1] =	stream.linear.gather [hbm4b:s11+s2], $0x80, $0x38;
	[tilespmem:$0x10600] =	vst v63  }
0x65: {  	s21 =	simm.s32 $0x4980;
	s14 =	sadd.s32 s28, s12;
	s11 =	simm.s32 $0x8900  }
0x66: {  	[tilespmem:s11], [sflag:$0x1] =	stream.linear.gather [hbm4b:s14+s2], $0x80, $0x38;
	[tilespmem:$0x10600] =	vst v63  }
0x67: {  	s25 =	simm.s32 $0x8980;
	s12 =	sadd.s32 s5, s18;
	s20 =	spop (v2sf)  }
0x68: {  	s10 =	simm.s32 $0x4A00;
	(v2sf) =	vpush v63, $0x9;
	s11 =	sand.u32 $0x1FFFFFF0, s20;
	s22 =	spop (v2sf)  }
0x69: {  	(v2sf) =	vpush v2, $0xA;
	[tilespmem:s1], [sflag:$0x1] =	stream.linear.gather [hbm4b:s12+s2], $0x80, $0x38;
	[tilespmem:$0x10600] =	vst v63  }
0x6a: {  	s11 =	sadd.s32 s6, s11;
	s12 =	sand.u32 $0x1FFFFFF0, s22;
	s23 =	spop (v2sf)  }
0x6b: {  	(v2sf) =	vpush v1, $0xA;
	[tilespmem:s21], [sflag:$0x1] =	stream.linear.gather [hbm4b:s11+s2], $0x80, $0x38;
	[tilespmem:$0x10600] =	vst v63  }
0x6c: {  	s1 =	simm.s32 $0x4C00;
	s30 =	sand.u32 $0x1FFFFFF0, s23;
	s13 =	spop (v2sf)  }
0x6d: {  	s26 =	sadd.s32 s28, s12;
	(v2sf) =	vpush v63, $0xA;
	s12 =	sadd.s32 s5, s30;
	s18 =	spop (v2sf)  }
0x6e: {  	(v2sf) =	vpush v2, $0xB;
	[tilespmem:s25], [sflag:$0x1] =	stream.linear.gather [hbm4b:s26+s2], $0x80, $0x38;
	[tilespmem:$0x10600] =	vst v63  }
0x6f: {  	s14 =	sand.u32 $0x1FFFFFF0, s13;
	s25 =	simm.s32 $0xC80;
	s11 =	sand.u32 $0x1FFFFFF0, s18  }
0x70: {  	(v2sf) =	vpush v1, $0xB;
	[tilespmem:s0], [sflag:$0x1] =	stream.linear.gather [hbm4b:s12+s2], $0x80, $0x38;
	[tilespmem:$0x10600] =	vst v63  }
0x71: {  	s20 =	spop (v2sf);
	(v2sf) =	vpush v63, $0xB;
	s18 =	simm.s32 $0x8B00;
	s0 =	sadd.s32 s6, s14  }
0x72: {  	[tilespmem:s10], [sflag:$0x1] =	stream.linear.gather [hbm4b:s0+s2], $0x80, $0x38;
	[tilespmem:$0x10600] =	vst v63  }
0x73: {  	s21 =	sadd.s32 s28, s11;
	s22 =	sand.u32 $0x1FFFFFF0, s20;
	s23 =	spop (v2sf);
	(v2sf) =	vpush v2, $0xC  }
0x74: {  	[tilespmem:s31], [sflag:$0x1] =	stream.linear.gather [hbm4b:s21+s2], $0x80, $0x38;
	[tilespmem:$0x10600] =	vst v63  }
0x75: {  	s26 =	sadd.s32 s5, s22;
	s0 =	sand.u32 $0x1FFFFFF0, s23;
	s23 =	simm.s32 $0x8D00  }
0x76: {  	[tilespmem:s3], [sflag:$0x1] =	stream.linear.gather [hbm4b:s26+s2], $0x80, $0x38;
	[tilespmem:$0x10600] =	vst v63  }
0x77: {  	s0 =	sadd.s32 s6, s0;
	s21 =	sadd.s32 $0x10, s15;
	s30 =	spop (v2sf)  }
0x78: {  	s26 =	simm.s32 $0xB80;
	s3 =	sand.u32 $0x1FFFFFF0, s30;
	s31 =	spop (v2sf)  }
0x79: {  	(v2sf) =	vpush v1, $0xC;
	[tilespmem:s9], [sflag:$0x1] =	stream.linear.gather [hbm4b:s0+s2], $0x80, $0x38;
	[tilespmem:$0x10600] =	vst v63  }
0x7a: {  	s0 =	simm.s32 $0x8B80;
	s11 =	sadd.s32 s28, s3;
	s13 =	spop (v2sf)  }
0x7b: {  	(v2sf) =	vpush v63, $0xC;
	[tilespmem:s7], [sflag:$0x1] =	stream.linear.gather [hbm4b:s11+s2], $0x80, $0x38;
	[tilespmem:$0x10600] =	vst v63  }
0x7c: {  	s12 =	sand.u32 $0x1FFFFFF0, s31;
	s31 =	simm.s32 $0x4B80;
	s14 =	spop (v2sf)  }
0x7d: {  	s3 =	sadd.s32 s5, s12;
	s7 =	sand.u32 $0x1FFFFFF0, s13;
	s15 =	spop (v2sf)  }
0x7e: {  	(v2sf) =	vpush v2, $0xD;
	[tilespmem:s8], [sflag:$0x1] =	stream.linear.gather [hbm4b:s3+s2], $0x80, $0x38;
	[tilespmem:$0x10600] =	vst v63  }
0x7f: {  	s7 =	sadd.s32 s6, s7;
	s3 =	simm.s32 $0xC00;
	s30 =	spop (v2sf)  }
0x80: {  	(v2sf) =	vpush v1, $0xD;
	s8 =	sand.u32 $0x1FFFFFF0, s14;
	s22 =	sand.u32 $0x1FFFFFF0, s15;
	s9 =	spop (v2sf)  }
0x81: {  	[tilespmem:s4], [sflag:$0x1] =	stream.linear.gather [hbm4b:s7+s2], $0x80, $0x38;
	[tilespmem:$0x10600] =	vst v63  }
0x82: {  	s20 =	sadd.s32 s28, s8;
	s7 =	sand.u32 $0x1FFFFFF0, s30;
	s10 =	spop (v2sf)  }
0x83: {  	[tilespmem:s18], [sflag:$0x1] =	stream.linear.gather [hbm4b:s20+s2], $0x80, $0x38;
	[tilespmem:$0x10600] =	vst v63  }
0x84: {  	s8 =	sadd.s32 s5, s22;
	s7 =	sadd.s32 s6, s7;
	s12 =	sand.u32 $0x1FFFFFF0, s10  }
0x85: {  	[tilespmem:s26], [sflag:$0x1] =	stream.linear.gather [hbm4b:s8+s2], $0x80, $0x38;
	[tilespmem:$0x10600] =	vst v63  }
0x86: {  	s14 =	sadd.s32 s5, s12;
	s8 =	sand.u32 $0x1FFFFFF0, s9;
	s26 =	simm.s32 $0x8C00  }
0x87: {  	[tilespmem:s31], [sflag:$0x1] =	stream.linear.gather [hbm4b:s7+s2], $0x80, $0x38;
	[tilespmem:$0x10600] =	vst v63  }
0x88: {  	s9 =	simm.s32 $0xD00;
	s11 =	sadd.s32 s28, s8;
	s13 =	spop (v2sf)  }
0x89: {  	[tilespmem:s0], [sflag:$0x1] =	stream.linear.gather [hbm4b:s11+s2], $0x80, $0x38;
	[tilespmem:$0x10600] =	vst v63  }
0x8a: {  	(v2sf) =	vpush v63, $0xD;
	s8 =	simm.s32 $0xD80;
	s7 =	simm.s32 $0x4D00;
	s18 =	spop (v2sf)  }
0x8b: {  	(v2sf) =	vpush v2, $0xE;
	[tilespmem:s3], [sflag:$0x1] =	stream.linear.gather [hbm4b:s14+s2], $0x80, $0x38;
	[tilespmem:$0x10600] =	vst v63  }
0x8c: {  	s11 =	simm.s32 $0x4C80;
	s15 =	sand.u32 $0x1FFFFFF0, s13;
	(v2sf) =	vpush v1, $0xE;
	s22 =	sand.u32 $0x1FFFFFF0, s18  }
0x8d: {  	s20 =	sadd.s32 s6, s15;
	(v2sf) =	vpush v63, $0xE;
	s30 =	sadd.s32 s28, s22;
	s31 =	spop (v2sf)  }
0x8e: {  	(v2sf) =	vpush v2, $0xF;
	[tilespmem:s1], [sflag:$0x1] =	stream.linear.gather [hbm4b:s20+s2], $0x80, $0x38;
	[tilespmem:$0x10600] =	vst v63  }
0x8f: {  	s20 =	simm.s32 $0x8C80;
	(v2sf) =	vpush v1, $0xF;
	s0 =	sand.u32 $0x1FFFFFF0, s31;
	s1 =	spop (v2sf)  }
0x90: {  	(v2sf) =	vpush v63, $0xF;
	[tilespmem:s26], [sflag:$0x1] =	stream.linear.gather [hbm4b:s30+s2], $0x80, $0x38;
	[tilespmem:$0x10600] =	vst v63  }
.LBB2_3:
0x91: {  	_ =	sdelay $0x3  }
0x92: {  	s0 =	sadd.s32 s5, s0;
	s1 =	sand.u32 $0x1FFFFFF0, s1  }
0x93: {  	[tilespmem:s25], [sflag:$0x1] =	stream.linear.gather [hbm4b:s0+s2], $0x80, $0x38;
	[tilespmem:$0x10600] =	vst v63  }
0x94: {  	s10 =	sadd.s32 s6, s1  }
0x95: {  	[tilespmem:s11], [sflag:$0x1] =	stream.linear.gather [hbm4b:s10+s2], $0x80, $0x38;
	[tilespmem:$0x10600] =	vst v63  }
0x96: {  	s3 =	spop (v2sf)  }
0x97: {  	s12 =	sand.u32 $0x1FFFFFF0, s3;
	s13 =	spop (v2sf)  }
0x98: {  	s14 =	sadd.s32 s28, s12;
	s15 =	sand.u32 $0x1FFFFFF0, s13  }
0x99: {  	[tilespmem:s20], [sflag:$0x1] =	stream.linear.gather [hbm4b:s14+s2], $0x80, $0x38;
	[tilespmem:$0x10600] =	vst v63  }
0x9a: {  	s4 =	smov.u32 s19;
	s18 =	spop (v2sf);
	s20 =	sadd.s32 s5, s15  }
0x9b: {  	s22 =	sand.u32 $0x1FFFFFF0, s18;
	s25 =	spop (v2sf);
	s18 =	sadd.s32 $0x8D80, s24  }
0x9c: {  	s24 =	sshra.s32 s4, $0x2;
	s26 =	sadd.s32 s6, s22;
	s30 =	sand.u32 $0x1FFFFFF0, s25  }
0x9d: {  	s31 =	spop (v2sf);
	s22 =	sadd.s32 $0x4780, s24;
	s25 =	sadd.s32 $0xA00, s24  }
0x9e: {  	[tilespmem:s9], [sflag:$0x1] =	stream.linear.gather [hbm4b:s20+s2], $0x80, $0x38;
	[tilespmem:$0x10600] =	vst v63  }
0x9f: {  	s4 =	sadd.s32 $0x8A80, s24;
	s9 =	sadd.s32 s28, s30;
	[dreg:$0x1e] =	wrdreg s22  }
0xa0: {  	s10 =	sand.u32 $0x1FFFFFF0, s31;
	s11 =	spop (v2sf);
	[dreg:$0x11] =	wrdreg s25  }
0xa1: {  	[tilespmem:s7], [sflag:$0x1] =	stream.linear.gather [hbm4b:s26+s2], $0x80, $0x38;
	[tilespmem:$0x10600] =	vst v63  }
0xa2: {  	s30 =	sadd.s32 $0x8780, s24;
	[dreg:$0xb] =	wrdreg s4;
	s25 =	sadd.s32 $0x4980, s24  }
0xa3: {  	[tilespmem:s23], [sflag:$0x1] =	stream.linear.gather [hbm4b:s9+s2], $0x80, $0x38;
	[tilespmem:$0x10600] =	vst v63  }
0xa4: {  	s12 =	sadd.s32 s5, s10;
	s13 =	sand.u32 $0x1FFFFFF0, s11;
	s14 =	spop (v2sf)  }
0xa5: {  	[tilespmem:s8], [sflag:$0x1] =	stream.linear.gather [hbm4b:s12+s2], $0x80, $0x38;
	[tilespmem:$0x10600] =	vst v63  }
0xa6: {  	[smem:$0x7EF] =	sst s30;
	s15 =	sadd.s32 s6, s13;
	s3 =	sand.u32 $0x1FFFFFF0, s14  }
0xa7: {  	[tilespmem:s29], [sflag:$0x1] =	stream.linear.gather [hbm4b:s15+s2], $0x80, $0x38;
	[tilespmem:$0x10600] =	vst v63  }
0xa8: {  	s10 =	sadd.s32 $0x4900, s24;
	[dreg:$0x17] =	wrdreg s25;
	s20 =	sadd.s32 s28, s3  }
0xa9: {  	[tilespmem:s18], [sflag:$0x1] =	stream.linear.gather [hbm4b:s20+s2], $0x80, $0x38;
	[tilespmem:$0x10600] =	vst v63  }
0xaa: {  	s26 =	sadd.s32 $0xA80, s24;
	[dreg:$0x18] =	wrdreg s10;
	v0 =	vld [tilespmem:s17+$0x0]  }
0xab: {  	s7 =	sadd.s32 $0x4800, s24;
	[dreg:$0xd] =	wrdreg s26;
	v1 =	vld [tilespmem:s16+$0x0]  }
0xac: {  	s13 =	sadd.s32 $0x4A80, s24;
	[dreg:$0x1d] =	wrdreg s7;
	v3 =	vld [tilespmem:s21+$0x0]  }
0xad: {  	s14 =	sadd.s32 $0x4A00, s24;
	[dreg:$0x10] =	wrdreg s13  }
0xae: {  	p0 =	sne.s32 s19, $0xE000;
	s10 =	sadd.s32 $0x8B80, s24;
	[dreg:$0x14] =	wrdreg s14  }
0xaf: {  	s19 =	sadd.s32 $0x2000, s19;
	s3 =	sadd.s32 $0x4880, s24;
	[dreg:$0x9] =	wrdreg s10;
	v2 =	vshll.u32 v0, $0x4  }
0xb0: {  	s1 =	sadd.s32 $0x8680, s24;
	s26 =	sadd.s32 $0x8980, s24;
	[dreg:$0x1a] =	wrdreg s3;
	v1 =	vshll.u32 v1, $0x4;
	(v2sf) =	vpush v2, $0x0  }
0xb1: {  	s0 =	sadd.s32 $0x8700, s24;
	s7 =	sadd.s32 $0x8880, s24;
	[dreg:$0x16] =	wrdreg s26;
	v63 =	vshll.u32 v3, $0x4;
	(v2sf) =	vpush v1, $0x0  }
0xb2: {  	s31 =	sadd.s32 $0x8600, s24;
	s13 =	sadd.s32 $0xC00, s24;
	[dreg:$0x1c] =	wrdreg s7;
	(v2sf) =	vpush v63, $0x0  }
0xb3: {  	s22 =	sadd.s32 $0x800, s24;
	s14 =	sadd.s32 $0xB80, s24;
	[dreg:$0x7] =	wrdreg s13  }
0xb4: {  	s4 =	sadd.s32 $0x4700, s24;
	s23 =	sadd.s32 $0x980, s24;
	[dreg:$0xf] =	wrdreg s14;
	(v2sf) =	vpush v2, $0x1  }
0xb5: {  	s11 =	sadd.s32 $0x600, s24;
	s9 =	sadd.s32 $0xB00, s24;
	[dreg:$0x13] =	wrdreg s23  }
0xb6: {  	s30 =	sadd.s32 $0x700, s24;
	s26 =	sadd.s32 $0x900, s24;
	[dreg:$0xa] =	wrdreg s9  }
0xb7: {  	s25 =	sadd.s32 $0xC80, s24;
	s23 =	sadd.s32 $0x880, s24;
	[smem:$0x7F0] =	sst s26  }
0xb8: {  	s3 =	sadd.s32 $0x680, s24;
	s9 =	sadd.s32 $0x4C00, s24;
	[dreg:$0x1f] =	wrdreg s23;
	(v2sf) =	vpush v1, $0x1  }
0xb9: {  	s7 =	sadd.s32 $0x4D00, s24;
	s8 =	sadd.s32 $0x8800, s24;
	[dreg:$0x6] =	wrdreg s9  }
0xba: {  	s12 =	sadd.s32 $0x4B00, s24;
	s23 =	sadd.s32 $0x8D00, s24;
	[dreg:$0x1b] =	wrdreg s8;
	(v2sf) =	vpush v63, $0x1  }
0xbb: {  	s9 =	sadd.s32 $0xD00, s24;
	[dreg:$0x8] =	wrdreg s12;
	s8 =	sadd.s32 $0x8900, s24  }
0xbc: {  	s12 =	sadd.s32 $0x4680, s24;
	s15 =	sadd.s32 $0x780, s24;
	[dreg:$0x19] =	wrdreg s8;
	(v2sf) =	vpush v2, $0x2  }
0xbd: {  	s29 =	sadd.s32 $0x4D80, s24;
	s8 =	sadd.s32 $0xD80, s24;
	s18 =	sadd.s32 $0x4600, s24  }
0xbe: {  	s20 =	sadd.s32 $0x8A00, s24;
	s16 =	sadd.s32 $0x10, s16;
	s17 =	sadd.s32 $0x10, s17;
	(v2sf) =	vpush v1, $0x2  }
0xbf: {  	[dreg:$0x12] =	wrdreg s20;
	s21 =	sadd.s32 $0x10, s21;
	s10 =	spop (v2sf)  }
0xc0: {  	s20 =	sadd.s32 $0x4B80, s24;
	(v2sf) =	vpush v63, $0x2;
	s26 =	sand.u32 $0x1FFFFFF0, s10;
	s13 =	spop (v2sf)  }
0xc1: {  	[dreg:$0xc] =	wrdreg s20;
	s26 =	sadd.s32 s5, s26;
	s14 =	spop (v2sf)  }
0xc2: {  	(v2sf) =	vpush v2, $0x3;
	[tilespmem:s11], [sflag:$0x1] =	stream.linear.gather [hbm4b:s26+s2], $0x80, $0x38;
	[tilespmem:$0x10600] =	vst v63  }
0xc3: {  	s20 =	sadd.s32 $0x8C80, s24;
	s13 =	sand.u32 $0x1FFFFFF0, s13;
	s10 =	spop (v2sf)  }
0xc4: {  	(v2sf) =	vpush v1, $0x3;
	s13 =	sadd.s32 s6, s13;
	s26 =	sand.u32 $0x1FFFFFF0, s10;
	s10 =	sadd.s32 $0x8B00, s24  }
0xc5: {  	[tilespmem:s18], [sflag:$0x1] =	stream.linear.gather [hbm4b:s13+s2], $0x80, $0x38;
	[tilespmem:$0x10600] =	vst v63  }
0xc6: {  	s14 =	sand.u32 $0x1FFFFFF0, s14;
	[dreg:$0x15] =	wrdreg s10;
	s10 =	sadd.s32 $0x8C00, s24  }
0xc7: {  	(v2sf) =	vpush v63, $0x3;
	s13 =	sadd.s32 s28, s14;
	s18 =	spop (v2sf);
	[dreg:$0xe] =	wrdreg s10  }
0xc8: {  	[tilespmem:s31], [sflag:$0x1] =	stream.linear.gather [hbm4b:s13+s2], $0x80, $0x38;
	[tilespmem:$0x10600] =	vst v63  }
0xc9: {  	(v2sf) =	vpush v2, $0x4;
	s14 =	sand.u32 $0x1FFFFFF0, s18;
	s10 =	spop (v2sf);
	s31 =	sadd.s32 s5, s26  }
0xca: {  	[tilespmem:s3], [sflag:$0x1] =	stream.linear.gather [hbm4b:s31+s2], $0x80, $0x38;
	[tilespmem:$0x10600] =	vst v63  }
0xcb: {  	(v2sf) =	vpush v1, $0x4;
	s26 =	sadd.s32 s6, s14;
	s31 =	sand.u32 $0x1FFFFFF0, s10;
	s10 =	spop (v2sf)  }
0xcc: {  	[tilespmem:s12], [sflag:$0x1] =	stream.linear.gather [hbm4b:s26+s2], $0x80, $0x38;
	[tilespmem:$0x10600] =	vst v63  }
0xcd: {  	s13 =	sadd.s32 s28, s31;
	s14 =	sand.u32 $0x1FFFFFF0, s10;
	s18 =	spop (v2sf)  }
0xce: {  	(v2sf) =	vpush v63, $0x4;
	[tilespmem:s1], [sflag:$0x1] =	stream.linear.gather [hbm4b:s13+s2], $0x80, $0x38;
	[tilespmem:$0x10600] =	vst v63  }
0xcf: {  	s26 =	sadd.s32 s5, s14;
	s31 =	sand.u32 $0x1FFFFFF0, s18;
	s10 =	spop (v2sf)  }
0xd0: {  	(v2sf) =	vpush v2, $0x5;
	[tilespmem:s30], [sflag:$0x1] =	stream.linear.gather [hbm4b:s26+s2], $0x80, $0x38;
	[tilespmem:$0x10600] =	vst v63  }
0xd1: {  	s13 =	sadd.s32 s6, s31;
	s14 =	sand.u32 $0x1FFFFFF0, s10;
	s18 =	spop (v2sf)  }
0xd2: {  	(v2sf) =	vpush v1, $0x5;
	[tilespmem:s4], [sflag:$0x1] =	stream.linear.gather [hbm4b:s13+s2], $0x80, $0x38;
	[tilespmem:$0x10600] =	vst v63  }
0xd3: {  	s26 =	sadd.s32 s28, s14;
	s30 =	sand.u32 $0x1FFFFFF0, s18;
	s31 =	spop (v2sf)  }
0xd4: {  	[tilespmem:s0], [sflag:$0x1] =	stream.linear.gather [hbm4b:s26+s2], $0x80, $0x38;
	[tilespmem:$0x10600] =	vst v63  }
0xd5: {  	s11 =	sadd.s32 $0x4C80, s24;
	(v2sf) =	vpush v63, $0x5;
	s3 =	sadd.s32 s5, s30;
	s4 =	sand.u32 $0x1FFFFFF0, s31  }
0xd6: {  	s10 =	spop (v2sf);
	s31 =	sld [smem:$0x7EF];
	s12 =	sadd.s32 s6, s4  }
0xd7: {  	(v2sf) =	vpush v2, $0x6;
	[tilespmem:s15], [sflag:$0x1] =	stream.linear.gather [hbm4b:s3+s2], $0x80, $0x38;
	[tilespmem:$0x10600] =	vst v63  }
0xd8: {  	(v2sf) =	vpush v1, $0x6;
	s13 =	sand.u32 $0x1FFFFFF0, s10;
	s14 =	spop (v2sf);
	s15 =	rddreg [dreg:$0x1e]  }
0xd9: {  	[tilespmem:s15], [sflag:$0x1] =	stream.linear.gather [hbm4b:s12+s2], $0x80, $0x38;
	[tilespmem:$0x10600] =	vst v63  }
0xda: {  	(v2sf) =	vpush v63, $0x6;
	s18 =	sadd.s32 s28, s13;
	s26 =	sand.u32 $0x1FFFFFF0, s14;
	s30 =	spop (v2sf)  }
0xdb: {  	(v2sf) =	vpush v2, $0x7;
	[tilespmem:s31], [sflag:$0x1] =	stream.linear.gather [hbm4b:s18+s2], $0x80, $0x38;
	[tilespmem:$0x10600] =	vst v63  }
0xdc: {  	s4 =	sadd.s32 s5, s26;
	s10 =	sand.u32 $0x1FFFFFF0, s30;
	s18 =	rddreg [dreg:$0x1d]  }
0xdd: {  	s13 =	sadd.s32 s6, s10;
	s12 =	spop (v2sf);
	s31 =	rddreg [dreg:$0x1b]  }
0xde: {  	[tilespmem:s22], [sflag:$0x1] =	stream.linear.gather [hbm4b:s4+s2], $0x80, $0x38;
	[tilespmem:$0x10600] =	vst v63  }
0xdf: {  	(v2sf) =	vpush v1, $0x7;
	s14 =	sand.u32 $0x1FFFFFF0, s12;
	s15 =	spop (v2sf);
	s12 =	rddreg [dreg:$0x1f]  }
0xe0: {  	[tilespmem:s18], [sflag:$0x1] =	stream.linear.gather [hbm4b:s13+s2], $0x80, $0x38;
	[tilespmem:$0x10600] =	vst v63  }
0xe1: {  	(v2sf) =	vpush v63, $0x7;
	s26 =	sand.u32 $0x1FFFFFF0, s15;
	s22 =	sadd.s32 s28, s14;
	s30 =	spop (v2sf)  }
0xe2: {  	[tilespmem:s31], [sflag:$0x1] =	stream.linear.gather [hbm4b:s22+s2], $0x80, $0x38;
	[tilespmem:$0x10600] =	vst v63  }
0xe3: {  	s1 =	sadd.s32 s5, s26;
	s18 =	rddreg [dreg:$0x1a];
	s3 =	sand.u32 $0x1FFFFFF0, s30  }
0xe4: {  	s31 =	rddreg [dreg:$0x1c];
	s10 =	spop (v2sf);
	s13 =	sadd.s32 s6, s3  }
0xe5: {  	(v2sf) =	vpush v2, $0x8;
	[tilespmem:s12], [sflag:$0x1] =	stream.linear.gather [hbm4b:s1+s2], $0x80, $0x38;
	[tilespmem:$0x10600] =	vst v63  }
0xe6: {  	s14 =	sand.u32 $0x1FFFFFF0, s10;
	s15 =	spop (v2sf);
	s12 =	sld [smem:$0x7F0]  }
0xe7: {  	(v2sf) =	vpush v1, $0x8;
	s22 =	sadd.s32 s28, s14;
	s26 =	sand.u32 $0x1FFFFFF0, s15;
	s30 =	spop (v2sf)  }
0xe8: {  	(v2sf) =	vpush v63, $0x8;
	[tilespmem:s18], [sflag:$0x1] =	stream.linear.gather [hbm4b:s13+s2], $0x80, $0x38;
	[tilespmem:$0x10600] =	vst v63  }
0xe9: {  	s1 =	sadd.s32 s5, s26;
	s3 =	sand.u32 $0x1FFFFFF0, s30;
	s10 =	spop (v2sf)  }
0xea: {  	(v2sf) =	vpush v2, $0x9;
	s18 =	rddreg [dreg:$0x18];
	s14 =	sand.u32 $0x1FFFFFF0, s10;
	s15 =	spop (v2sf)  }
0xeb: {  	[tilespmem:s31], [sflag:$0x1] =	stream.linear.gather [hbm4b:s22+s2], $0x80, $0x38;
	[tilespmem:$0x10600] =	vst v63  }
0xec: {  	s13 =	sadd.s32 s6, s3;
	s22 =	sadd.s32 s28, s14;
	s26 =	sand.u32 $0x1FFFFFF0, s15  }
0xed: {  	(v2sf) =	vpush v1, $0x9;
	[tilespmem:s12], [sflag:$0x1] =	stream.linear.gather [hbm4b:s1+s2], $0x80, $0x38;
	[tilespmem:$0x10600] =	vst v63  }
0xee: {  	(v2sf) =	vpush v63, $0x9;
	s31 =	rddreg [dreg:$0x19];
	s30 =	spop (v2sf);
	s1 =	sadd.s32 s5, s26  }
0xef: {  	[tilespmem:s18], [sflag:$0x1] =	stream.linear.gather [hbm4b:s13+s2], $0x80, $0x38;
	[tilespmem:$0x10600] =	vst v63  }
0xf0: {  	(v2sf) =	vpush v2, $0xA;
	s12 =	rddreg [dreg:$0x13];
	s3 =	sand.u32 $0x1FFFFFF0, s30;
	s10 =	spop (v2sf)  }
0xf1: {  	[tilespmem:s31], [sflag:$0x1] =	stream.linear.gather [hbm4b:s22+s2], $0x80, $0x38;
	[tilespmem:$0x10600] =	vst v63  }
0xf2: {  	(v2sf) =	vpush v1, $0xA;
	s13 =	sadd.s32 s6, s3;
	s14 =	sand.u32 $0x1FFFFFF0, s10;
	s18 =	rddreg [dreg:$0x17]  }
0xf3: {  	[tilespmem:s12], [sflag:$0x1] =	stream.linear.gather [hbm4b:s1+s2], $0x80, $0x38;
	[tilespmem:$0x10600] =	vst v63  }
0xf4: {  	s22 =	sadd.s32 s28, s14;
	s31 =	rddreg [dreg:$0x16];
	s15 =	spop (v2sf)  }
0xf5: {  	[tilespmem:s18], [sflag:$0x1] =	stream.linear.gather [hbm4b:s13+s2], $0x80, $0x38;
	[tilespmem:$0x10600] =	vst v63  }
0xf6: {  	(v2sf) =	vpush v63, $0xA;
	s12 =	rddreg [dreg:$0x11];
	s26 =	sand.u32 $0x1FFFFFF0, s15;
	s30 =	spop (v2sf)  }
0xf7: {  	s1 =	sadd.s32 s5, s26;
	s3 =	sand.u32 $0x1FFFFFF0, s30;
	s10 =	spop (v2sf)  }
0xf8: {  	[tilespmem:s31], [sflag:$0x1] =	stream.linear.gather [hbm4b:s22+s2], $0x80, $0x38;
	[tilespmem:$0x10600] =	vst v63  }
0xf9: {  	(v2sf) =	vpush v2, $0xB;
	s18 =	rddreg [dreg:$0x14];
	s13 =	sadd.s32 s6, s3;
	s15 =	spop (v2sf)  }
0xfa: {  	s14 =	sand.u32 $0x1FFFFFF0, s10;
	s31 =	rddreg [dreg:$0x12];
	s26 =	sand.u32 $0x1FFFFFF0, s15  }
0xfb: {  	(v2sf) =	vpush v1, $0xB;
	[tilespmem:s12], [sflag:$0x1] =	stream.linear.gather [hbm4b:s1+s2], $0x80, $0x38;
	[tilespmem:$0x10600] =	vst v63  }
0xfc: {  	s22 =	sadd.s32 s28, s14;
	s30 =	spop (v2sf);
	s1 =	sadd.s32 s5, s26  }
0xfd: {  	(v2sf) =	vpush v63, $0xB;
	s3 =	sand.u32 $0x1FFFFFF0, s30;
	s10 =	spop (v2sf);
	s12 =	rddreg [dreg:$0xd]  }
0xfe: {  	[tilespmem:s18], [sflag:$0x1] =	stream.linear.gather [hbm4b:s13+s2], $0x80, $0x38;
	[tilespmem:$0x10600] =	vst v63  }
0xff: {  	(v2sf) =	vpush v2, $0xC;
	s14 =	sand.u32 $0x1FFFFFF0, s10;
	s13 =	sadd.s32 s6, s3;
	s15 =	spop (v2sf)  }
0x100: {  	[tilespmem:s31], [sflag:$0x1] =	stream.linear.gather [hbm4b:s22+s2], $0x80, $0x38;
	[tilespmem:$0x10600] =	vst v63  }
0x101: {  	s18 =	rddreg [dreg:$0x10];
	s22 =	sadd.s32 s28, s14;
	s30 =	spop (v2sf)  }
0x102: {  	[tilespmem:s12], [sflag:$0x1] =	stream.linear.gather [hbm4b:s1+s2], $0x80, $0x38;
	[tilespmem:$0x10600] =	vst v63  }
0x103: {  	(v2sf) =	vpush v1, $0xC;
	s26 =	sand.u32 $0x1FFFFFF0, s15;
	s31 =	rddreg [dreg:$0xb];
	s3 =	sand.u32 $0x1FFFFFF0, s30  }
0x104: {  	[tilespmem:s18], [sflag:$0x1] =	stream.linear.gather [hbm4b:s13+s2], $0x80, $0x38;
	[tilespmem:$0x10600] =	vst v63  }
0x105: {  	(v2sf) =	vpush v63, $0xC;
	s1 =	sadd.s32 s5, s26;
	s12 =	rddreg [dreg:$0xa];
	s10 =	spop (v2sf)  }
0x106: {  	[tilespmem:s31], [sflag:$0x1] =	stream.linear.gather [hbm4b:s22+s2], $0x80, $0x38;
	[tilespmem:$0x10600] =	vst v63  }
0x107: {  	s13 =	sadd.s32 s6, s3;
	s18 =	rddreg [dreg:$0x8];
	s14 =	sand.u32 $0x1FFFFFF0, s10  }
0x108: {  	(v2sf) =	vpush v2, $0xD;
	s31 =	rddreg [dreg:$0x15];
	s15 =	spop (v2sf);
	s22 =	sadd.s32 s28, s14  }
0x109: {  	[tilespmem:s12], [sflag:$0x1] =	stream.linear.gather [hbm4b:s1+s2], $0x80, $0x38;
	[tilespmem:$0x10600] =	vst v63  }
0x10a: {  	(v2sf) =	vpush v1, $0xD;
	s26 =	sand.u32 $0x1FFFFFF0, s15;
	s30 =	spop (v2sf);
	s12 =	rddreg [dreg:$0xf]  }
0x10b: {  	[tilespmem:s18], [sflag:$0x1] =	stream.linear.gather [hbm4b:s13+s2], $0x80, $0x38;
	[tilespmem:$0x10600] =	vst v63  }
0x10c: {  	s1 =	sadd.s32 s5, s26;
	s3 =	sand.u32 $0x1FFFFFF0, s30;
	s10 =	spop (v2sf)  }
0x10d: {  	[tilespmem:s31], [sflag:$0x1] =	stream.linear.gather [hbm4b:s22+s2], $0x80, $0x38;
	[tilespmem:$0x10600] =	vst v63  }
0x10e: {  	s13 =	sadd.s32 s6, s3;
	s15 =	spop (v2sf);
	s18 =	rddreg [dreg:$0xc]  }
0x10f: {  	[tilespmem:s12], [sflag:$0x1] =	stream.linear.gather [hbm4b:s1+s2], $0x80, $0x38;
	[tilespmem:$0x10600] =	vst v63  }
0x110: {  	s14 =	sand.u32 $0x1FFFFFF0, s10;
	s26 =	sand.u32 $0x1FFFFFF0, s15;
	s31 =	rddreg [dreg:$0x9]  }
0x111: {  	[tilespmem:s18], [sflag:$0x1] =	stream.linear.gather [hbm4b:s13+s2], $0x80, $0x38;
	[tilespmem:$0x10600] =	vst v63  }
0x112: {  	s30 =	spop (v2sf);
	s22 =	sadd.s32 s28, s14;
	s14 =	rddreg [dreg:$0x7]  }
0x113: {  	[tilespmem:s31], [sflag:$0x1] =	stream.linear.gather [hbm4b:s22+s2], $0x80, $0x38;
	[tilespmem:$0x10600] =	vst v63  }
0x114: {  	(v2sf) =	vpush v63, $0xD;
	s10 =	sadd.s32 s5, s26;
	s26 =	rddreg [dreg:$0x6];
	s13 =	spop (v2sf)  }
0x115: {  	(v2sf) =	vpush v2, $0xE;
	[tilespmem:s14], [sflag:$0x1] =	stream.linear.gather [hbm4b:s10+s2], $0x80, $0x38;
	[tilespmem:$0x10600] =	vst v63  }
.Ltmp0:
0x116: {  	(v2sf) =	vpush v1, $0xE;
	s12 =	sand.u32 $0x1FFFFFF0, s30;
	s18 =	sand.u32 $0x1FFFFFF0, s13;
	(pc) =	sbr.rel @p0 .LBB2_3-.Ltmp0, $4  }
0x117: {  	(v2sf) =	vpush v63, $0xE;
	s15 =	sadd.s32 s6, s12;
	s22 =	spop (v2sf);
	s30 =	sadd.s32 s28, s18  }
0x118: {  	(v2sf) =	vpush v2, $0xF;
	[tilespmem:s26], [sflag:$0x1] =	stream.linear.gather [hbm4b:s15+s2], $0x80, $0x38;
	[tilespmem:$0x10600] =	vst v63  }
0x119: {  	(v2sf) =	vpush v1, $0xF;
	s31 =	rddreg [dreg:$0xe];
	s0 =	sand.u32 $0x1FFFFFF0, s22;
	s1 =	spop (v2sf)  }
0x11a: {  	(v2sf) =	vpush v63, $0xF;
	[tilespmem:s31], [sflag:$0x1] =	stream.linear.gather [hbm4b:s30+s2], $0x80, $0x38;
	[tilespmem:$0x10600] =	vst v63  }
0x11b: {  	_ =	sdelay $0x3  }
0x11c: {  	s0 =	sadd.s32 s5, s0;
	s1 =	sand.u32 $0x1FFFFFF0, s1  }
0x11d: {  	[tilespmem:s25], [sflag:$0x1] =	stream.linear.gather [hbm4b:s0+s2], $0x80, $0x38;
	[tilespmem:$0x10600] =	vst v63  }
0x11e: {  	s26 =	sadd.s32 s6, s1  }
0x11f: {  	[tilespmem:s11], [sflag:$0x1] =	stream.linear.gather [hbm4b:s26+s2], $0x80, $0x38;
	[tilespmem:$0x10600] =	vst v63  }
0x120: {  	s3 =	spop (v2sf)  }
0x121: {  	s30 =	sand.u32 $0x1FFFFFF0, s3;
	s31 =	spop (v2sf)  }
0x122: {  	s4 =	sadd.s32 s28, s30;
	s10 =	sand.u32 $0x1FFFFFF0, s31;
	s11 =	spop (v2sf)  }
0x123: {  	[tilespmem:s20], [sflag:$0x1] =	stream.linear.gather [hbm4b:s4+s2], $0x80, $0x38;
	[tilespmem:$0x10600] =	vst v63  }
0x124: {  	s12 =	sadd.s32 s5, s10;
	s13 =	sand.u32 $0x1FFFFFF0, s11;
	s14 =	spop (v2sf)  }
0x125: {  	[tilespmem:s9], [sflag:$0x1] =	stream.linear.gather [hbm4b:s12+s2], $0x80, $0x38;
	[tilespmem:$0x10600] =	vst v63  }
0x126: {  	s15 =	sadd.s32 s6, s13;
	s16 =	sand.u32 $0x1FFFFFF0, s14;
	s17 =	spop (v2sf)  }
0x127: {  	[tilespmem:s7], [sflag:$0x1] =	stream.linear.gather [hbm4b:s15+s2], $0x80, $0x38;
	[tilespmem:$0x10600] =	vst v63  }
0x128: {  	s18 =	sadd.s32 s28, s16;
	s19 =	sand.u32 $0x1FFFFFF0, s17;
	s20 =	spop (v2sf)  }
0x129: {  	[tilespmem:s23], [sflag:$0x1] =	stream.linear.gather [hbm4b:s18+s2], $0x80, $0x38;
	[tilespmem:$0x10600] =	vst v63  }
0x12a: {  	s21 =	sadd.s32 s5, s19;
	s22 =	sand.u32 $0x1FFFFFF0, s20;
	s23 =	spop (v2sf)  }
0x12b: {  	[tilespmem:s8], [sflag:$0x1] =	stream.linear.gather [hbm4b:s21+s2], $0x80, $0x38;
	[tilespmem:$0x10600] =	vst v63  }
0x12c: {  	s25 =	sadd.s32 s6, s22;
	s26 =	sand.u32 $0x1FFFFFF0, s23  }
0x12d: {  	[tilespmem:s29], [sflag:$0x1] =	stream.linear.gather [hbm4b:s25+s2], $0x80, $0x38;
	[tilespmem:$0x10600] =	vst v63  }
0x12e: {  	s30 =	simm.s32 $0x1;
	s1 =	sadd.s32 s28, s26;
	s29 =	sadd.s32 $0x8D80, s24  }
0x12f: {  	[tilespmem:s29], [sflag:$0x1] =	stream.linear.gather [hbm4b:s1+s2], $0x80, $0x38;
	[tilespmem:$0x10600] =	vst v63  }
0x130: {  	_ =	swait.ge [sflag:s30], $0x4000  }
0x131: {  	[sflag:s30] =	ssyncset.done $0x0  }
0x132: {  	[sflag:s30] =	ssyncadd.s32 $0xFFFFC000  }
0x133: {  	_ =	swait.ge [sflag:s30], $0x4000  }
0x134: {  	[sflag:s30] =	ssyncset.done $0x0  }
0x135: {  	[sflag:s30] =	ssyncadd.s32 $0xFFFFC000  }
0x136: {  	_ =	swait.ge [sflag:s30], $0x4000  }
0x137: {  	[sflag:s30] =	ssyncset.done $0x0  }
0x138: {  	s31 =	simm.s32 $0x2;
	[sflag:s30] =	ssyncadd.s32 $0xFFFFC000  }
0x139: {  	_ =	swait.ge [sflag:s31], $0x4000  }
0x13a: {  	[sflag:s31] =	ssyncset.done $0x0  }
0x13b: {  	s0 =	simm.s32 $0x0;
	[sflag:s31] =	ssyncadd.s32 $0xFFFFC000  }
0x13c: {  	v1 =	vld [tilespmem:s0+$0x8600]  }
0x13d: {  	v0 =	vld [tilespmem:s0+$0x8610]  }
0x13e: {  	v2 =	vld [tilespmem:s0+$0x600]  }
0x13f: {  	v4 =	vld [tilespmem:s0+$0x4600]  }
0x140: {  	v3 =	vld [tilespmem:s0+$0x610]  }
0x141: {  	v7 =	vld [tilespmem:s0+$0x4610]  }
0x142: {  	v5 =	vld [tilespmem:s0+$0x620]  }
0x143: {  	v8 =	vld [tilespmem:s0+$0x4620]  }
0x144: {  	s1 =	simm.s32 $0x200;
	v6 =	vld [tilespmem:s0+$0x630]  }
.LBB2_5:
0x145: {  	p0 =	sne.s32 s1, $0xFE00;
	v9 =	vld [tilespmem:s0+$0x4630]  }
0x146: {  	v10 =	vld [tilespmem:s0+$0x8620]  }
0x147: {  	v2 =	vadd.f32 v4, v2;
	v4 =	vld [tilespmem:s0+$0x8630]  }
0x148: {  	v3 =	vadd.f32 v7, v3;
	v11 =	vld [tilespmem:s0+$0xC600]  }
0x149: {  	v1 =	vadd.f32 v1, v2;
	v2 =	vadd.f32 v8, v5;
	v7 =	vld [tilespmem:s0+$0xC610]  }
0x14a: {  	v0 =	vadd.f32 v0, v3;
	v3 =	vld [tilespmem:s0+$0xC620];
	v5 =	vadd.f32 v9, v6  }
0x14b: {  	s3 =	sshra.s32 s1, $0x2;
	v6 =	vmul.f32 $5.000000000e-01, v1;
	v2 =	vadd.f32 v10, v2;
	v8 =	vld [tilespmem:s0+$0xC630]  }
0x14c: {  	v9 =	vmul.f32 $5.000000000e-01, v0;
	v1 =	vld [tilespmem:s3+$0x8600];
	v4 =	vadd.f32 v4, v5  }
0x14d: {  	v0 =	vld [tilespmem:s3+$0x8610];
	v5 =	vadd.f32 v6, v11;
	v6 =	vmul.f32 $5.000000000e-01, v2  }
0x14e: {  	v2 =	vld [tilespmem:s3+$0x600];
	v7 =	vadd.f32 v9, v7;
	v9 =	vmul.f32 $5.000000000e-01, v4  }
0x14f: {  	v4 =	vld [tilespmem:s3+$0x4600];
	[tilespmem:s0+$0xC600] =	vst v5;
	v5 =	vadd.f32 v6, v3  }
.Ltmp1:
0x150: {  	v3 =	vld [tilespmem:s3+$0x610];
	[tilespmem:s0+$0xC610] =	vst v7;
	v6 =	vadd.f32 v9, v8;
	(pc) =	sbr.rel @p0 .LBB2_5-.Ltmp1, $4  }
0x151: {  	v7 =	vld [tilespmem:s3+$0x4610];
	[tilespmem:s0+$0xC620] =	vst v5  }
0x152: {  	v5 =	vld [tilespmem:s3+$0x620];
	[tilespmem:s0+$0xC630] =	vst v6;
	s0 =	smov.u32 s3  }
0x153: {  	v8 =	vld [tilespmem:s0+$0x4620]  }
0x154: {  	s1 =	sadd.s32 $0x200, s1;
	v6 =	vld [tilespmem:s0+$0x630]  }
0x155: {  	v9 =	vld [tilespmem:s0+$0x4630]  }
0x156: {  	v10 =	vld [tilespmem:s0+$0x8620]  }
0x157: {  	v2 =	vadd.f32 v4, v2;
	v57 =	vld [tilespmem:s0+$0x8630]  }
0x158: {  	v11 =	vld [tilespmem:s0+$0xC600];
	v3 =	vadd.f32 v7, v3  }
0x159: {  	v58 =	vld [tilespmem:s0+$0xC610];
	v1 =	vadd.f32 v1, v2;
	v5 =	vadd.f32 v8, v5  }
0x15a: {  	v59 =	vld [tilespmem:s0+$0xC620];
	v0 =	vadd.f32 v0, v3;
	v6 =	vadd.f32 v9, v6  }
0x15b: {  	v60 =	vld [tilespmem:s0+$0xC630];
	v1 =	vmul.f32 $5.000000000e-01, v1;
	v5 =	vadd.f32 v10, v5  }
0x15c: {  	v0 =	vmul.f32 $5.000000000e-01, v0;
	v4 =	vadd.f32 v57, v6  }
0x15d: {  	v1 =	vadd.f32 v1, v11;
	v5 =	vmul.f32 $5.000000000e-01, v5  }
0x15e: {  	s29 =	sld [smem:$0x7F8];
	v0 =	vadd.f32 v0, v58;
	v61 =	vmul.f32 $5.000000000e-01, v4  }
0x15f: {  	s1 =	sld [smem:$0x7F2];
	[tilespmem:s0+$0xC600] =	vst v1;
	v62 =	vadd.f32 v5, v59  }
0x160: {  	[tilespmem:s0+$0xC610] =	vst v0;
	v63 =	vadd.f32 v61, v60  }
0x161: {  	[tilespmem:s0+$0xC620] =	vst v62  }
0x162: {  	s3 =	simm.s32 $0xC600;
	s30 =	simm.s32 $0x4;
	[tilespmem:s0+$0xC630] =	vst v63;
	s0 =	sadd.s32 s29, s1  }
0x163: {  	[hbm4b:s0+s2] =	stream.linear.scatter [tilespmem:s3], [sflag:$0x4], $0x4000, $0x38;
	[tilespmem:$0x10600] =	vst v63  }
0x164: {  	_ =	swait.ge [sflag:s30], $0x4000  }
0x165: {  	s31 =	sld [smem:$0x7F1];
	_ =	sdelay $0x2  }
0x166: {  	s1 =	sadd.s32 $0x1, s31  }
0x167: {  	s15 =	sld [smem:$0x7F5];
	p0 =	sne.s32 s1, $0x4  }
.Ltmp2:
0x168: {  	s4 =	sld [smem:$0x7F3];
	(pc) =	sbr.rel @p0 .LBB2_2-.Ltmp2, $4  }
0x169: {  	s7 =	sld [smem:$0x7F4]  }
0x16a: {  	[sflag:s30] =	ssyncset.done $0x0  }
0x16b: {  	[sflag:s30] =	ssyncadd.s32 $0xFFFFC000  }
0x16c: {  	s15 =	sadd.s32 $0x80, s15;
	s4 =	sadd.s32 $0x80, s4;
	s7 =	sadd.s32 $0x80, s7  }
0x16d: {  	s1 =	sld [smem:$0x7F6]  }
0x16e: {  	s0 =	sld [smem:$0x7FC];
	_ =	sdelay $0x1  }
0x16f: {  	s1 =	sadd.s32 $0x1, s1  }
0x170: {  	p0 =	sne.s32 s1, s0  }
.Ltmp3:
0x171: {  	_ = 	snop;
	(pc) =	sbr.rel @p0 .LBB2_1-.Ltmp3, $1  }
0x172: {  	_ =	sdelay $0x3  }
0x173: {  	_ =	sfence.sel $0x180000  }
0x174: {  	[bflag:$0x0] =	sbarrier.arrive $0xFFFF  }
0x175: {  	_ =	strace $0x90000047  }
0x176: {  	s0 =	stileid.u32;
	[bflag:$0x2] =	sbarrier.arrive $0xFFFF  }
0x177: {  	p0 =	sne.s32 s0, $0x0;
	s0 =	rddreg [dreg:$0x5]  }
0x178: {  	s0 =	sadd.s32 @!p0 $0x100000, s0  }
0x179: {  	[sflag:s0] =	ssyncadd.tile.s32 @!p0 $0x1;
	_ =	shalt  }
.Lfunc_end2:
_tile_overlayer_lowered:
.L_overlay_start_2:
0x17a: {  	(tag) =	ssettag $0x2  }
0x17b: {  	s0 =	rddreg [dreg:$0x0];
	s2 =	stileid.u32  }
0x17c: {  	s1 =	rddreg [dreg:$0x1];
	p0 =	sne.s32 s2, $0x0  }
0x17d: {  	s3 =	rddreg [dreg:$0x2];
	[bflag:$0x3] =	sbarrier.arrive $0xFFFF;
	s2 =	simm.s32 @!p0 $0x1C04  }
0x17e: {  	[timem:s3], [sflag:s2] =	dma.local @!p0 [hbm:s0], s1  }
0x17f: {  	s0 =	simm.s32 @!p0 $0x4  }
0x180: {  	_ =	swait.ge @!p0 [sflag:s0], s1  }
0x181: {  	s1 =	ssub.s32 @!p0 $0x0, s1;
	[sflag:s0] =	ssyncset.done @!p0 $0x0  }
0x182: {  	[sflag:s0] =	ssyncadd.s32 @!p0 s1  }
0x183: {  	[bflag:$0x3] =	sbarrier.arrive $0xFFFF  }
0x184: {  	_ =	shalt  }

</sc_bundles>
